<compile_context>
chip_gen: v7x
topology: tpu7x:2x2x1
jax: 0.10.2.dev20260603
libtpu: 0.0.44.dev20260713+nightly
codegen_flags: <defaults>
</compile_context>

<pallas_src>
import functools

import jax
import jax.numpy as jnp
from jax import lax
from jax.experimental import pallas as pl
from jax.experimental.pallas import tpu as pltpu
from jax.experimental.pallas import tpu_sc as plsc

_B = 4096
_L = 200
_D = 64
_HID = 256
_NCLASS = 4

_NC, _NS = 2, 16
_NW = _NC * _NS

_CHUNKS = ((0, 48), (48, 48), (96, 48), (144, 56))
_ROWS = 2 * _B
_RPW = _ROWS // _NW
_NBUF = 4


def _sum_rows(buf, r, out_v, scale):
    zeros = jnp.zeros((16,), jnp.float32)

    def body(j, acc):
        a = list(acc)
        for u in range(4):
            row = j * 4 + u
            for k in range(4):
                a[k] = a[k] + buf[row, pl.ds(k * 16, 16)]
        return tuple(a)

    acc = lax.fori_loop(0, _L // 4, body, (zeros,) * 4)
    for k in range(4):
        out_v[r, pl.ds(k * 16, 16)] = acc[k] * scale


def _sc_avg_call(arg1, arg2, embed):
    mesh = plsc.VectorSubcoreMesh(core_axis_name="c", subcore_axis_name="s",
                                  num_cores=_NC, num_subcores=_NS)

    @functools.partial(
        pl.kernel,
        out_type=jax.ShapeDtypeStruct((_ROWS, _D), jnp.float32),
        mesh=mesh,
        compiler_params=pltpu.CompilerParams(use_tc_tiling_on_sc=False),
        scratch_types=[
            pltpu.VMEM((_RPW, _L), jnp.int32),
            pltpu.VMEM((_NBUF, _L, _D), jnp.float32),
            pltpu.VMEM((_RPW, _D), jnp.float32),
            pltpu.SemaphoreType.DMA,
            pltpu.SemaphoreType.DMA,
            pltpu.SemaphoreType.DMA,
            pltpu.SemaphoreType.DMA,
        ],
    )
    def sc_avg(a1_hbm, a2_hbm, embed_hbm, out_hbm, idx_v, buf_v, out_v,
               s0, s1, s2, s3):
        sems = (s0, s1, s2, s3)
        wid = lax.axis_index("s") * _NC + lax.axis_index("c")
        half = _NW // 2
        row_base = wid * _RPW

        @pl.when(wid < half)
        def _():
            pltpu.sync_copy(a1_hbm.at[pl.ds(wid * _RPW, _RPW)], idx_v)

        @pl.when(wid >= half)
        def _():
            pltpu.sync_copy(a2_hbm.at[pl.ds((wid - half) * _RPW, _RPW)], idx_v)

        scale = jnp.float32(1.0 / _L)

        def fire(r, b):
            for off, sz in _CHUNKS:
                pltpu.async_copy(
                    embed_hbm.at[idx_v.at[r, pl.ds(off, sz)]],
                    buf_v.at[b, pl.ds(off, sz)],
                    sems[b],
                )

        def wait(r, b):
            for off, sz in _CHUNKS:
                pltpu.make_async_copy(
                    embed_hbm.at[idx_v.at[r, pl.ds(off, sz)]],
                    buf_v.at[b, pl.ds(off, sz)],
                    sems[b],
                ).wait()

        for b in range(_NBUF - 1):
            fire(b, b)

        @pl.loop(0, _RPW, step=_NBUF)
        def _pipeline(i):
            for s in range(_NBUF):
                r = i + s
                wait(r, s)
                nxt = r + (_NBUF - 1)

                @pl.when(nxt < _RPW)
                def _():
                    fire(nxt, (s + _NBUF - 1) % _NBUF)

                _sum_rows(buf_v.at[s], r, out_v, scale)

        pltpu.sync_copy(out_v, out_hbm.at[pl.ds(row_base, _RPW)])

    return sc_avg(arg1, arg2, embed)


_BM = 512


def _head_call(avg, W1, b1, W2, b2):
    W1a = W1[:, :_D]
    W1b = W1[:, _D:]
    w2p = jnp.zeros((128, _HID), jnp.float32).at[:_NCLASS].set(W2)
    b2p = jnp.zeros((1, 128), jnp.float32).at[0, :_NCLASS].set(b2)
    b1r = b1.reshape(1, _HID)

    def head(x1_ref, x2_ref, w1a_ref, w1b_ref, b1_ref, w2_ref, b2_ref, o_ref):
        h = lax.dot_general(x1_ref[...], w1a_ref[...], (((1,), (1,)), ((), ())),
                            preferred_element_type=jnp.float32)
        h = h + lax.dot_general(x2_ref[...], w1b_ref[...], (((1,), (1,)), ((), ())),
                                preferred_element_type=jnp.float32)
        h = jnp.maximum(h + b1_ref[...], 0.0)
        o = lax.dot_general(h, w2_ref[...], (((1,), (1,)), ((), ())),
                            preferred_element_type=jnp.float32)
        o_ref[...] = o + b2_ref[...]

    nblk = _B // _BM
    out = pl.pallas_call(
        head,
        grid=(nblk,),
        in_specs=[
            pl.BlockSpec((_BM, _D), lambda g: (g, 0)),
            pl.BlockSpec((_BM, _D), lambda g: (g + nblk, 0)),
            pl.BlockSpec((_HID, _D), lambda g: (0, 0)),
            pl.BlockSpec((_HID, _D), lambda g: (0, 0)),
            pl.BlockSpec((1, _HID), lambda g: (0, 0)),
            pl.BlockSpec((128, _HID), lambda g: (0, 0)),
            pl.BlockSpec((1, 128), lambda g: (0, 0)),
        ],
        out_specs=pl.BlockSpec((_BM, 128), lambda g: (g, 0)),
        out_shape=jax.ShapeDtypeStruct((_B, 128), jnp.float32),
    )(avg, avg, W1a, W1b, b1r, w2p, b2p)
    return out[:, :_NCLASS]


def kernel(arg1, arg2, embed, W1, b1, W2, b2):
    avg = _sc_avg_call(arg1.astype(jnp.int32), arg2.astype(jnp.int32), embed)
    return _head_call(avg, W1, b1, W2, b2)

# --- scband reference (transcript-rebuilt; emitter-appended) ---
"""Pipeline reference for scband-avg-model-33492154974900 (READ-ONLY COPY).

The authoritative reference and input builder live on the scoring server;
editing this copy changes nothing except your own understanding.
"""

import jax, jax.numpy as jnp
import numpy as np

VOCAB = 1000000
WORD_DIM = 64
HID = 256
NCLASS = 4
B = 4096
L = 200


def setup_inputs(seed: int = 0) -> dict:
    key = jax.random.key(seed)
    k1, k2, k3, k4, k5 = jax.random.split(key, 5)
    arg1 = jax.random.randint(k1, (B, L), 0, VOCAB, dtype=jnp.int64 if jax.config.jax_enable_x64 else jnp.int32)
    arg2 = jax.random.randint(k2, (B, L), 0, VOCAB, dtype=jnp.int64 if jax.config.jax_enable_x64 else jnp.int32)
    embed = jax.random.uniform(k3, (VOCAB, WORD_DIM), minval=-0.01, maxval=0.01, dtype=jnp.float32)
    W1 = jax.random.normal(k4, (HID, WORD_DIM * 2), dtype=jnp.float32) * (1.0 / np.sqrt(WORD_DIM * 2))
    b1 = jnp.zeros((HID,), dtype=jnp.float32)
    W2 = jax.random.normal(k5, (NCLASS, HID), dtype=jnp.float32) * (1.0 / np.sqrt(HID))
    b2 = jnp.zeros((NCLASS,), dtype=jnp.float32)
    return {"arg1": arg1, "arg2": arg2, "embed": embed, "W1": W1, "b1": b1, "W2": W2, "b2": b2}


def reference(arg1, arg2, embed, W1, b1, W2, b2):
    # embedding lookups (SparseCore gather)
    arg1_embed = jnp.take(embed, arg1, axis=0)  # [B, L, D]
    arg2_embed = jnp.take(embed, arg2, axis=0)  # [B, L, D]
    # arg*_lens is None -> plain mean over sequence dim
    arg1_avg = jnp.mean(arg1_embed, axis=1)  # [B, D]
    arg2_avg = jnp.mean(arg2_embed, axis=1)  # [B, D]
    arg_avg = jnp.concatenate([arg1_avg, arg2_avg], axis=-1)  # [B, 2D]
    # dropout is identity in eval mode
    arg_rep = arg_avg @ W1.T + b1
    arg_rep = jnp.maximum(arg_rep, 0.0)
    o = arg_rep @ W2.T + b2
    return o

if __name__ == "__main__":
    import jax
    _d = setup_inputs()
    print(jax.jit(kernel)(*tuple(_d.values())))

</pallas_src>

<mosaic_0001>
#map = affine_map<(d0, d1) -> (0, 0)>
module attributes {stable_mosaic.version = 14 : i64} {
  func.func @sc_avg(%arg0: i32, %arg1: i32, %arg2: memref<4096x200xi32, #tpu.memory_space<hbm>>, %arg3: memref<4096x200xi32, #tpu.memory_space<hbm>>, %arg4: memref<1000000x64xf32, #tpu.memory_space<hbm>>, %arg5: memref<8192x64xf32, #tpu.memory_space<hbm>>, %arg6: memref<256x200xi32, #tpu.memory_space<vmem>>, %arg7: memref<4x200x64xf32, #tpu.memory_space<vmem>>, %arg8: memref<256x64xf32, #tpu.memory_space<vmem>>, %arg9: memref<!tpu.dma_semaphore, #tpu.memory_space<semaphore_mem>>, %arg10: memref<!tpu.dma_semaphore, #tpu.memory_space<semaphore_mem>>, %arg11: memref<!tpu.dma_semaphore, #tpu.memory_space<semaphore_mem>>, %arg12: memref<!tpu.dma_semaphore, #tpu.memory_space<semaphore_mem>>) attributes {dimension_semantics = [#tpu.dimension_semantics<core_parallel>, #tpu.dimension_semantics<subcore_parallel>], iteration_bounds = array<i64: 2, 16>, scalar_prefetch = 0 : i64, scratch_operands = 7 : i64, tpu.core_type = #tpu.core_type<sc_vector_subcore>, window_params = [{transform_indices = #map}, {transform_indices = #map}, {transform_indices = #map}, {transform_indices = #map}]} {
    %mul3A = arith.constant 2 : i32
    %mul3A_0 = arith.muli %arg1, %mul3A : i32
    %add3A = arith.addi %mul3A_0, %arg0 : i32
    %mul3A_1 = arith.constant 256 : i32
    %mul3A_2 = arith.muli %add3A, %mul3A_1 : i32
    %lt3A = arith.constant 16 : i32
    %lt3A_3 = arith.cmpi slt, %add3A, %lt3A : i32
    %convert_element_type3A = arith.extui %lt3A_3 : i1 to i32
    %cond3A = arith.constant 0 : i32
    %cond3A_4 = arith.cmpi ne, %convert_element_type3A, %cond3A : i32
    scf.if %cond3A_4 {
      %mul3A_157 = arith.constant 256 : i32
      %mul3A_158 = arith.muli %add3A, %mul3A_157 : i32
      "tpu.region"() ({
        %run_scoped3A = tpu.sem_alloc : memref<!tpu.dma_semaphore, #tpu.memory_space<semaphore_mem>>
        %dma_start3A_159 = arith.constant 0 : i32
        %dma_start3A_160 = tpu.memref_slice %arg2[%mul3A_158, %dma_start3A_159] : memref<4096x200xi32, #tpu.memory_space<hbm>> -> memref<256x200xi32, #tpu.memory_space<hbm>>
        %dma_start3A_161 = arith.constant 0 : i32
        %dma_start3A_162 = tpu.memref_slice %arg2[%mul3A_158, %dma_start3A_161] : memref<4096x200xi32, #tpu.memory_space<hbm>> -> memref<256x200xi32, #tpu.memory_space<hbm>>
        tpu.enqueue_dma source(%dma_start3A_162 : memref<256x200xi32, #tpu.memory_space<hbm>>) target(%arg6 : memref<256x200xi32, #tpu.memory_space<vmem>>) target_semaphore(%run_scoped3A : memref<!tpu.dma_semaphore, #tpu.memory_space<semaphore_mem>>)
        %dma_wait3A = arith.constant 0 : i32
        %dma_wait3A_163 = tpu.memref_slice %arg2[%mul3A_158, %dma_wait3A] : memref<4096x200xi32, #tpu.memory_space<hbm>> -> memref<256x200xi32, #tpu.memory_space<hbm>>
        %dma_wait3A_164 = arith.constant 0 : i32
        %dma_wait3A_165 = tpu.memref_slice %arg2[%mul3A_158, %dma_wait3A_164] : memref<4096x200xi32, #tpu.memory_space<hbm>> -> memref<256x200xi32, #tpu.memory_space<hbm>>
        tpu.wait_dma2 semaphore(%run_scoped3A : memref<!tpu.dma_semaphore, #tpu.memory_space<semaphore_mem>>) src(%dma_wait3A_165 : memref<256x200xi32, #tpu.memory_space<hbm>>) dst(%arg6 : memref<256x200xi32, #tpu.memory_space<vmem>>)
        tpu.yield
      }) : () -> ()
    } else {
    }
    %ge3A = arith.constant 16 : i32
    %ge3A_5 = arith.cmpi sge, %add3A, %ge3A : i32
    %convert_element_type3A_6 = arith.extui %ge3A_5 : i1 to i32
    %cond3A_7 = arith.constant 0 : i32
    %cond3A_8 = arith.cmpi ne, %convert_element_type3A_6, %cond3A_7 : i32
    scf.if %cond3A_8 {
      %sub3A = arith.constant 16 : i32
      %sub3A_157 = arith.subi %add3A, %sub3A : i32
      %mul3A_158 = arith.constant 256 : i32
      %mul3A_159 = arith.muli %sub3A_157, %mul3A_158 : i32
      "tpu.region"() ({
        %run_scoped3A = tpu.sem_alloc : memref<!tpu.dma_semaphore, #tpu.memory_space<semaphore_mem>>
        %dma_start3A_160 = arith.constant 0 : i32
        %dma_start3A_161 = tpu.memref_slice %arg3[%mul3A_159, %dma_start3A_160] : memref<4096x200xi32, #tpu.memory_space<hbm>> -> memref<256x200xi32, #tpu.memory_space<hbm>>
        %dma_start3A_162 = arith.constant 0 : i32
        %dma_start3A_163 = tpu.memref_slice %arg3[%mul3A_159, %dma_start3A_162] : memref<4096x200xi32, #tpu.memory_space<hbm>> -> memref<256x200xi32, #tpu.memory_space<hbm>>
        tpu.enqueue_dma source(%dma_start3A_163 : memref<256x200xi32, #tpu.memory_space<hbm>>) target(%arg6 : memref<256x200xi32, #tpu.memory_space<vmem>>) target_semaphore(%run_scoped3A : memref<!tpu.dma_semaphore, #tpu.memory_space<semaphore_mem>>)
        %dma_wait3A = arith.constant 0 : i32
        %dma_wait3A_164 = tpu.memref_slice %arg3[%mul3A_159, %dma_wait3A] : memref<4096x200xi32, #tpu.memory_space<hbm>> -> memref<256x200xi32, #tpu.memory_space<hbm>>
        %dma_wait3A_165 = arith.constant 0 : i32
        %dma_wait3A_166 = tpu.memref_slice %arg3[%mul3A_159, %dma_wait3A_165] : memref<4096x200xi32, #tpu.memory_space<hbm>> -> memref<256x200xi32, #tpu.memory_space<hbm>>
        tpu.wait_dma2 semaphore(%run_scoped3A : memref<!tpu.dma_semaphore, #tpu.memory_space<semaphore_mem>>) src(%dma_wait3A_166 : memref<256x200xi32, #tpu.memory_space<hbm>>) dst(%arg6 : memref<256x200xi32, #tpu.memory_space<vmem>>)
        tpu.yield
      }) : () -> ()
    } else {
    }
    %dma_start3A = arith.constant 0 : i32
    %dma_start3A_9 = arith.constant 0 : i32
    %dma_start3A_10 = arith.constant 0 : i32
    %dma_start3A_11 = arith.constant 0 : i32
    %dma_start3A_12 = tpu.memref_slice %arg7[%dma_start3A_9, %dma_start3A_10, %dma_start3A_11] : memref<4x200x64xf32, #tpu.memory_space<vmem>> -> memref<1x48x64xf32, #tpu.memory_space<vmem>>
    %dma_start3A_13 = tpu.memref_squeeze %dma_start3A_12 : memref<1x48x64xf32, #tpu.memory_space<vmem>> -> memref<48x64xf32, #tpu.memory_space<vmem>>
    %dma_start3A_14 = arith.constant 0 : i32
    %dma_start3A_15 = tpu.memref_slice %arg6[%dma_start3A, %dma_start3A_14] : memref<256x200xi32, #tpu.memory_space<vmem>> -> memref<1x48xi32, #tpu.memory_space<vmem>>
    %dma_start3A_16 = tpu.memref_squeeze %dma_start3A_15 : memref<1x48xi32, #tpu.memory_space<vmem>> -> memref<48xi32, #tpu.memory_space<vmem>>
    %dma_start3A_17 = arith.constant 0 : i32
    %dma_start3A_18 = arith.constant 0 : i32
    %dma_start3A_19 = tpu.memref_slice %arg4[%dma_start3A_17, %dma_start3A_18] : memref<1000000x64xf32, #tpu.memory_space<hbm>> -> memref<1000000x64xf32, #tpu.memory_space<hbm>>
    tpu.enqueue_indirect_dma source(%dma_start3A_19 : memref<1000000x64xf32, #tpu.memory_space<hbm>>) target(%dma_start3A_13 : memref<48x64xf32, #tpu.memory_space<vmem>>) offsets(%dma_start3A_16 : memref<48xi32, #tpu.memory_space<vmem>>) semaphore(%arg9 : memref<!tpu.dma_semaphore, #tpu.memory_space<semaphore_mem>>)
    %dma_start3A_20 = arith.constant 0 : i32
    %dma_start3A_21 = arith.constant 0 : i32
    %dma_start3A_22 = arith.constant 48 : i32
    %dma_start3A_23 = arith.constant 0 : i32
    %dma_start3A_24 = tpu.memref_slice %arg7[%dma_start3A_21, %dma_start3A_22, %dma_start3A_23] : memref<4x200x64xf32, #tpu.memory_space<vmem>> -> memref<1x48x64xf32, #tpu.memory_space<vmem>>
    %dma_start3A_25 = tpu.memref_squeeze %dma_start3A_24 : memref<1x48x64xf32, #tpu.memory_space<vmem>> -> memref<48x64xf32, #tpu.memory_space<vmem>>
    %dma_start3A_26 = arith.constant 48 : i32
    %dma_start3A_27 = tpu.memref_slice %arg6[%dma_start3A_20, %dma_start3A_26] : memref<256x200xi32, #tpu.memory_space<vmem>> -> memref<1x48xi32, #tpu.memory_space<vmem>>
    %dma_start3A_28 = tpu.memref_squeeze %dma_start3A_27 : memref<1x48xi32, #tpu.memory_space<vmem>> -> memref<48xi32, #tpu.memory_space<vmem>>
    %dma_start3A_29 = arith.constant 0 : i32
    %dma_start3A_30 = arith.constant 0 : i32
    %dma_start3A_31 = tpu.memref_slice %arg4[%dma_start3A_29, %dma_start3A_30] : memref<1000000x64xf32, #tpu.memory_space<hbm>> -> memref<1000000x64xf32, #tpu.memory_space<hbm>>
    tpu.enqueue_indirect_dma source(%dma_start3A_31 : memref<1000000x64xf32, #tpu.memory_space<hbm>>) target(%dma_start3A_25 : memref<48x64xf32, #tpu.memory_space<vmem>>) offsets(%dma_start3A_28 : memref<48xi32, #tpu.memory_space<vmem>>) semaphore(%arg9 : memref<!tpu.dma_semaphore, #tpu.memory_space<semaphore_mem>>)
    %dma_start3A_32 = arith.constant 0 : i32
    %dma_start3A_33 = arith.constant 0 : i32
    %dma_start3A_34 = arith.constant 96 : i32
    %dma_start3A_35 = arith.constant 0 : i32
    %dma_start3A_36 = tpu.memref_slice %arg7[%dma_start3A_33, %dma_start3A_34, %dma_start3A_35] : memref<4x200x64xf32, #tpu.memory_space<vmem>> -> memref<1x48x64xf32, #tpu.memory_space<vmem>>
    %dma_start3A_37 = tpu.memref_squeeze %dma_start3A_36 : memref<1x48x64xf32, #tpu.memory_space<vmem>> -> memref<48x64xf32, #tpu.memory_space<vmem>>
    %dma_start3A_38 = arith.constant 96 : i32
    %dma_start3A_39 = tpu.memref_slice %arg6[%dma_start3A_32, %dma_start3A_38] : memref<256x200xi32, #tpu.memory_space<vmem>> -> memref<1x48xi32, #tpu.memory_space<vmem>>
    %dma_start3A_40 = tpu.memref_squeeze %dma_start3A_39 : memref<1x48xi32, #tpu.memory_space<vmem>> -> memref<48xi32, #tpu.memory_space<vmem>>
    %dma_start3A_41 = arith.constant 0 : i32
    %dma_start3A_42 = arith.constant 0 : i32
    %dma_start3A_43 = tpu.memref_slice %arg4[%dma_start3A_41, %dma_start3A_42] : memref<1000000x64xf32, #tpu.memory_space<hbm>> -> memref<1000000x64xf32, #tpu.memory_space<hbm>>
    tpu.enqueue_indirect_dma source(%dma_start3A_43 : memref<1000000x64xf32, #tpu.memory_space<hbm>>) target(%dma_start3A_37 : memref<48x64xf32, #tpu.memory_space<vmem>>) offsets(%dma_start3A_40 : memref<48xi32, #tpu.memory_space<vmem>>) semaphore(%arg9 : memref<!tpu.dma_semaphore, #tpu.memory_space<semaphore_mem>>)
    %dma_start3A_44 = arith.constant 0 : i32
    %dma_start3A_45 = arith.constant 0 : i32
    %dma_start3A_46 = arith.constant 144 : i32
    %dma_start3A_47 = arith.constant 0 : i32
    %dma_start3A_48 = tpu.memref_slice %arg7[%dma_start3A_45, %dma_start3A_46, %dma_start3A_47] : memref<4x200x64xf32, #tpu.memory_space<vmem>> -> memref<1x56x64xf32, #tpu.memory_space<vmem>>
    %dma_start3A_49 = tpu.memref_squeeze %dma_start3A_48 : memref<1x56x64xf32, #tpu.memory_space<vmem>> -> memref<56x64xf32, #tpu.memory_space<vmem>>
    %dma_start3A_50 = arith.constant 144 : i32
    %dma_start3A_51 = tpu.memref_slice %arg6[%dma_start3A_44, %dma_start3A_50] : memref<256x200xi32, #tpu.memory_space<vmem>> -> memref<1x56xi32, #tpu.memory_space<vmem>>
    %dma_start3A_52 = tpu.memref_squeeze %dma_start3A_51 : memref<1x56xi32, #tpu.memory_space<vmem>> -> memref<56xi32, #tpu.memory_space<vmem>>
    %dma_start3A_53 = arith.constant 0 : i32
    %dma_start3A_54 = arith.constant 0 : i32
    %dma_start3A_55 = tpu.memref_slice %arg4[%dma_start3A_53, %dma_start3A_54] : memref<1000000x64xf32, #tpu.memory_space<hbm>> -> memref<1000000x64xf32, #tpu.memory_space<hbm>>
    tpu.enqueue_indirect_dma source(%dma_start3A_55 : memref<1000000x64xf32, #tpu.memory_space<hbm>>) target(%dma_start3A_49 : memref<56x64xf32, #tpu.memory_space<vmem>>) offsets(%dma_start3A_52 : memref<56xi32, #tpu.memory_space<vmem>>) semaphore(%arg9 : memref<!tpu.dma_semaphore, #tpu.memory_space<semaphore_mem>>)
    %dma_start3A_56 = arith.constant 1 : i32
    %dma_start3A_57 = arith.constant 1 : i32
    %dma_start3A_58 = arith.constant 0 : i32
    %dma_start3A_59 = arith.constant 0 : i32
    %dma_start3A_60 = tpu.memref_slice %arg7[%dma_start3A_57, %dma_start3A_58, %dma_start3A_59] : memref<4x200x64xf32, #tpu.memory_space<vmem>> -> memref<1x48x64xf32, #tpu.memory_space<vmem>>
    %dma_start3A_61 = tpu.memref_squeeze %dma_start3A_60 : memref<1x48x64xf32, #tpu.memory_space<vmem>> -> memref<48x64xf32, #tpu.memory_space<vmem>>
    %dma_start3A_62 = arith.constant 0 : i32
    %dma_start3A_63 = tpu.memref_slice %arg6[%dma_start3A_56, %dma_start3A_62] : memref<256x200xi32, #tpu.memory_space<vmem>> -> memref<1x48xi32, #tpu.memory_space<vmem>>
    %dma_start3A_64 = tpu.memref_squeeze %dma_start3A_63 : memref<1x48xi32, #tpu.memory_space<vmem>> -> memref<48xi32, #tpu.memory_space<vmem>>
    %dma_start3A_65 = arith.constant 0 : i32
    %dma_start3A_66 = arith.constant 0 : i32
    %dma_start3A_67 = tpu.memref_slice %arg4[%dma_start3A_65, %dma_start3A_66] : memref<1000000x64xf32, #tpu.memory_space<hbm>> -> memref<1000000x64xf32, #tpu.memory_space<hbm>>
    tpu.enqueue_indirect_dma source(%dma_start3A_67 : memref<1000000x64xf32, #tpu.memory_space<hbm>>) target(%dma_start3A_61 : memref<48x64xf32, #tpu.memory_space<vmem>>) offsets(%dma_start3A_64 : memref<48xi32, #tpu.memory_space<vmem>>) semaphore(%arg10 : memref<!tpu.dma_semaphore, #tpu.memory_space<semaphore_mem>>)
    %dma_start3A_68 = arith.constant 1 : i32
    %dma_start3A_69 = arith.constant 1 : i32
    %dma_start3A_70 = arith.constant 48 : i32
    %dma_start3A_71 = arith.constant 0 : i32
    %dma_start3A_72 = tpu.memref_slice %arg7[%dma_start3A_69, %dma_start3A_70, %dma_start3A_71] : memref<4x200x64xf32, #tpu.memory_space<vmem>> -> memref<1x48x64xf32, #tpu.memory_space<vmem>>
    %dma_start3A_73 = tpu.memref_squeeze %dma_start3A_72 : memref<1x48x64xf32, #tpu.memory_space<vmem>> -> memref<48x64xf32, #tpu.memory_space<vmem>>
    %dma_start3A_74 = arith.constant 48 : i32
    %dma_start3A_75 = tpu.memref_slice %arg6[%dma_start3A_68, %dma_start3A_74] : memref<256x200xi32, #tpu.memory_space<vmem>> -> memref<1x48xi32, #tpu.memory_space<vmem>>
    %dma_start3A_76 = tpu.memref_squeeze %dma_start3A_75 : memref<1x48xi32, #tpu.memory_space<vmem>> -> memref<48xi32, #tpu.memory_space<vmem>>
    %dma_start3A_77 = arith.constant 0 : i32
    %dma_start3A_78 = arith.constant 0 : i32
    %dma_start3A_79 = tpu.memref_slice %arg4[%dma_start3A_77, %dma_start3A_78] : memref<1000000x64xf32, #tpu.memory_space<hbm>> -> memref<1000000x64xf32, #tpu.memory_space<hbm>>
    tpu.enqueue_indirect_dma source(%dma_start3A_79 : memref<1000000x64xf32, #tpu.memory_space<hbm>>) target(%dma_start3A_73 : memref<48x64xf32, #tpu.memory_space<vmem>>) offsets(%dma_start3A_76 : memref<48xi32, #tpu.memory_space<vmem>>) semaphore(%arg10 : memref<!tpu.dma_semaphore, #tpu.memory_space<semaphore_mem>>)
    %dma_start3A_80 = arith.constant 1 : i32
    %dma_start3A_81 = arith.constant 1 : i32
    %dma_start3A_82 = arith.constant 96 : i32
    %dma_start3A_83 = arith.constant 0 : i32
    %dma_start3A_84 = tpu.memref_slice %arg7[%dma_start3A_81, %dma_start3A_82, %dma_start3A_83] : memref<4x200x64xf32, #tpu.memory_space<vmem>> -> memref<1x48x64xf32, #tpu.memory_space<vmem>>
    %dma_start3A_85 = tpu.memref_squeeze %dma_start3A_84 : memref<1x48x64xf32, #tpu.memory_space<vmem>> -> memref<48x64xf32, #tpu.memory_space<vmem>>
    %dma_start3A_86 = arith.constant 96 : i32
    %dma_start3A_87 = tpu.memref_slice %arg6[%dma_start3A_80, %dma_start3A_86] : memref<256x200xi32, #tpu.memory_space<vmem>> -> memref<1x48xi32, #tpu.memory_space<vmem>>
    %dma_start3A_88 = tpu.memref_squeeze %dma_start3A_87 : memref<1x48xi32, #tpu.memory_space<vmem>> -> memref<48xi32, #tpu.memory_space<vmem>>
    %dma_start3A_89 = arith.constant 0 : i32
    %dma_start3A_90 = arith.constant 0 : i32
    %dma_start3A_91 = tpu.memref_slice %arg4[%dma_start3A_89, %dma_start3A_90] : memref<1000000x64xf32, #tpu.memory_space<hbm>> -> memref<1000000x64xf32, #tpu.memory_space<hbm>>
    tpu.enqueue_indirect_dma source(%dma_start3A_91 : memref<1000000x64xf32, #tpu.memory_space<hbm>>) target(%dma_start3A_85 : memref<48x64xf32, #tpu.memory_space<vmem>>) offsets(%dma_start3A_88 : memref<48xi32, #tpu.memory_space<vmem>>) semaphore(%arg10 : memref<!tpu.dma_semaphore, #tpu.memory_space<semaphore_mem>>)
    %dma_start3A_92 = arith.constant 1 : i32
    %dma_start3A_93 = arith.constant 1 : i32
    %dma_start3A_94 = arith.constant 144 : i32
    %dma_start3A_95 = arith.constant 0 : i32
    %dma_start3A_96 = tpu.memref_slice %arg7[%dma_start3A_93, %dma_start3A_94, %dma_start3A_95] : memref<4x200x64xf32, #tpu.memory_space<vmem>> -> memref<1x56x64xf32, #tpu.memory_space<vmem>>
    %dma_start3A_97 = tpu.memref_squeeze %dma_start3A_96 : memref<1x56x64xf32, #tpu.memory_space<vmem>> -> memref<56x64xf32, #tpu.memory_space<vmem>>
    %dma_start3A_98 = arith.constant 144 : i32
    %dma_start3A_99 = tpu.memref_slice %arg6[%dma_start3A_92, %dma_start3A_98] : memref<256x200xi32, #tpu.memory_space<vmem>> -> memref<1x56xi32, #tpu.memory_space<vmem>>
    %dma_start3A_100 = tpu.memref_squeeze %dma_start3A_99 : memref<1x56xi32, #tpu.memory_space<vmem>> -> memref<56xi32, #tpu.memory_space<vmem>>
    %dma_start3A_101 = arith.constant 0 : i32
    %dma_start3A_102 = arith.constant 0 : i32
    %dma_start3A_103 = tpu.memref_slice %arg4[%dma_start3A_101, %dma_start3A_102] : memref<1000000x64xf32, #tpu.memory_space<hbm>> -> memref<1000000x64xf32, #tpu.memory_space<hbm>>
    tpu.enqueue_indirect_dma source(%dma_start3A_103 : memref<1000000x64xf32, #tpu.memory_space<hbm>>) target(%dma_start3A_97 : memref<56x64xf32, #tpu.memory_space<vmem>>) offsets(%dma_start3A_100 : memref<56xi32, #tpu.memory_space<vmem>>) semaphore(%arg10 : memref<!tpu.dma_semaphore, #tpu.memory_space<semaphore_mem>>)
    %dma_start3A_104 = arith.constant 2 : i32
    %dma_start3A_105 = arith.constant 2 : i32
    %dma_start3A_106 = arith.constant 0 : i32
    %dma_start3A_107 = arith.constant 0 : i32
    %dma_start3A_108 = tpu.memref_slice %arg7[%dma_start3A_105, %dma_start3A_106, %dma_start3A_107] : memref<4x200x64xf32, #tpu.memory_space<vmem>> -> memref<1x48x64xf32, #tpu.memory_space<vmem>>
    %dma_start3A_109 = tpu.memref_squeeze %dma_start3A_108 : memref<1x48x64xf32, #tpu.memory_space<vmem>> -> memref<48x64xf32, #tpu.memory_space<vmem>>
    %dma_start3A_110 = arith.constant 0 : i32
    %dma_start3A_111 = tpu.memref_slice %arg6[%dma_start3A_104, %dma_start3A_110] : memref<256x200xi32, #tpu.memory_space<vmem>> -> memref<1x48xi32, #tpu.memory_space<vmem>>
    %dma_start3A_112 = tpu.memref_squeeze %dma_start3A_111 : memref<1x48xi32, #tpu.memory_space<vmem>> -> memref<48xi32, #tpu.memory_space<vmem>>
    %dma_start3A_113 = arith.constant 0 : i32
    %dma_start3A_114 = arith.constant 0 : i32
    %dma_start3A_115 = tpu.memref_slice %arg4[%dma_start3A_113, %dma_start3A_114] : memref<1000000x64xf32, #tpu.memory_space<hbm>> -> memref<1000000x64xf32, #tpu.memory_space<hbm>>
    tpu.enqueue_indirect_dma source(%dma_start3A_115 : memref<1000000x64xf32, #tpu.memory_space<hbm>>) target(%dma_start3A_109 : memref<48x64xf32, #tpu.memory_space<vmem>>) offsets(%dma_start3A_112 : memref<48xi32, #tpu.memory_space<vmem>>) semaphore(%arg11 : memref<!tpu.dma_semaphore, #tpu.memory_space<semaphore_mem>>)
    %dma_start3A_116 = arith.constant 2 : i32
    %dma_start3A_117 = arith.constant 2 : i32
    %dma_start3A_118 = arith.constant 48 : i32
    %dma_start3A_119 = arith.constant 0 : i32
    %dma_start3A_120 = tpu.memref_slice %arg7[%dma_start3A_117, %dma_start3A_118, %dma_start3A_119] : memref<4x200x64xf32, #tpu.memory_space<vmem>> -> memref<1x48x64xf32, #tpu.memory_space<vmem>>
    %dma_start3A_121 = tpu.memref_squeeze %dma_start3A_120 : memref<1x48x64xf32, #tpu.memory_space<vmem>> -> memref<48x64xf32, #tpu.memory_space<vmem>>
    %dma_start3A_122 = arith.constant 48 : i32
    %dma_start3A_123 = tpu.memref_slice %arg6[%dma_start3A_116, %dma_start3A_122] : memref<256x200xi32, #tpu.memory_space<vmem>> -> memref<1x48xi32, #tpu.memory_space<vmem>>
    %dma_start3A_124 = tpu.memref_squeeze %dma_start3A_123 : memref<1x48xi32, #tpu.memory_space<vmem>> -> memref<48xi32, #tpu.memory_space<vmem>>
    %dma_start3A_125 = arith.constant 0 : i32
    %dma_start3A_126 = arith.constant 0 : i32
    %dma_start3A_127 = tpu.memref_slice %arg4[%dma_start3A_125, %dma_start3A_126] : memref<1000000x64xf32, #tpu.memory_space<hbm>> -> memref<1000000x64xf32, #tpu.memory_space<hbm>>
    tpu.enqueue_indirect_dma source(%dma_start3A_127 : memref<1000000x64xf32, #tpu.memory_space<hbm>>) target(%dma_start3A_121 : memref<48x64xf32, #tpu.memory_space<vmem>>) offsets(%dma_start3A_124 : memref<48xi32, #tpu.memory_space<vmem>>) semaphore(%arg11 : memref<!tpu.dma_semaphore, #tpu.memory_space<semaphore_mem>>)
    %dma_start3A_128 = arith.constant 2 : i32
    %dma_start3A_129 = arith.constant 2 : i32
    %dma_start3A_130 = arith.constant 96 : i32
    %dma_start3A_131 = arith.constant 0 : i32
    %dma_start3A_132 = tpu.memref_slice %arg7[%dma_start3A_129, %dma_start3A_130, %dma_start3A_131] : memref<4x200x64xf32, #tpu.memory_space<vmem>> -> memref<1x48x64xf32, #tpu.memory_space<vmem>>
    %dma_start3A_133 = tpu.memref_squeeze %dma_start3A_132 : memref<1x48x64xf32, #tpu.memory_space<vmem>> -> memref<48x64xf32, #tpu.memory_space<vmem>>
    %dma_start3A_134 = arith.constant 96 : i32
    %dma_start3A_135 = tpu.memref_slice %arg6[%dma_start3A_128, %dma_start3A_134] : memref<256x200xi32, #tpu.memory_space<vmem>> -> memref<1x48xi32, #tpu.memory_space<vmem>>
    %dma_start3A_136 = tpu.memref_squeeze %dma_start3A_135 : memref<1x48xi32, #tpu.memory_space<vmem>> -> memref<48xi32, #tpu.memory_space<vmem>>
    %dma_start3A_137 = arith.constant 0 : i32
    %dma_start3A_138 = arith.constant 0 : i32
    %dma_start3A_139 = tpu.memref_slice %arg4[%dma_start3A_137, %dma_start3A_138] : memref<1000000x64xf32, #tpu.memory_space<hbm>> -> memref<1000000x64xf32, #tpu.memory_space<hbm>>
    tpu.enqueue_indirect_dma source(%dma_start3A_139 : memref<1000000x64xf32, #tpu.memory_space<hbm>>) target(%dma_start3A_133 : memref<48x64xf32, #tpu.memory_space<vmem>>) offsets(%dma_start3A_136 : memref<48xi32, #tpu.memory_space<vmem>>) semaphore(%arg11 : memref<!tpu.dma_semaphore, #tpu.memory_space<semaphore_mem>>)
    %dma_start3A_140 = arith.constant 2 : i32
    %dma_start3A_141 = arith.constant 2 : i32
    %dma_start3A_142 = arith.constant 144 : i32
    %dma_start3A_143 = arith.constant 0 : i32
    %dma_start3A_144 = tpu.memref_slice %arg7[%dma_start3A_141, %dma_start3A_142, %dma_start3A_143] : memref<4x200x64xf32, #tpu.memory_space<vmem>> -> memref<1x56x64xf32, #tpu.memory_space<vmem>>
    %dma_start3A_145 = tpu.memref_squeeze %dma_start3A_144 : memref<1x56x64xf32, #tpu.memory_space<vmem>> -> memref<56x64xf32, #tpu.memory_space<vmem>>
    %dma_start3A_146 = arith.constant 144 : i32
    %dma_start3A_147 = tpu.memref_slice %arg6[%dma_start3A_140, %dma_start3A_146] : memref<256x200xi32, #tpu.memory_space<vmem>> -> memref<1x56xi32, #tpu.memory_space<vmem>>
    %dma_start3A_148 = tpu.memref_squeeze %dma_start3A_147 : memref<1x56xi32, #tpu.memory_space<vmem>> -> memref<56xi32, #tpu.memory_space<vmem>>
    %dma_start3A_149 = arith.constant 0 : i32
    %dma_start3A_150 = arith.constant 0 : i32
    %dma_start3A_151 = tpu.memref_slice %arg4[%dma_start3A_149, %dma_start3A_150] : memref<1000000x64xf32, #tpu.memory_space<hbm>> -> memref<1000000x64xf32, #tpu.memory_space<hbm>>
    tpu.enqueue_indirect_dma source(%dma_start3A_151 : memref<1000000x64xf32, #tpu.memory_space<hbm>>) target(%dma_start3A_145 : memref<56x64xf32, #tpu.memory_space<vmem>>) offsets(%dma_start3A_148 : memref<56xi32, #tpu.memory_space<vmem>>) semaphore(%arg11 : memref<!tpu.dma_semaphore, #tpu.memory_space<semaphore_mem>>)
    %scan3A = arith.constant 5.000000e-03 : f32
    %scan3A_152 = arith.constant 0 : i32
    %scan3A_153 = arith.constant 64 : i32
    %scan3A_154 = arith.addi %scan3A_152, %scan3A_153 : i32
    %scan3A_155 = arith.constant 1 : i32
    scf.for %scan3A_157 = %scan3A_152 to %scan3A_154 step %scan3A_155  : i32 {
      %mul3A_158 = arith.constant 4 : i32
      %mul3A_159 = arith.muli %scan3A_157, %mul3A_158 : i32
      %add3A_160 = arith.constant 0 : i32
      %add3A_161 = arith.addi %add3A_160, %mul3A_159 : i32
      %add3A_162 = arith.constant 0 : i32
      %add3A_163 = arith.addi %add3A_161, %add3A_162 : i32
      %dma_wait3A = arith.constant 0 : i32
      %dma_wait3A_164 = arith.constant 0 : i32
      %dma_wait3A_165 = arith.constant 0 : i32
      %dma_wait3A_166 = tpu.memref_slice %arg7[%dma_wait3A, %dma_wait3A_164, %dma_wait3A_165] : memref<4x200x64xf32, #tpu.memory_space<vmem>> -> memref<1x48x64xf32, #tpu.memory_space<vmem>>
      %dma_wait3A_167 = tpu.memref_squeeze %dma_wait3A_166 : memref<1x48x64xf32, #tpu.memory_space<vmem>> -> memref<48x64xf32, #tpu.memory_space<vmem>>
      %dma_wait3A_168 = arith.constant 0 : i32
      %dma_wait3A_169 = tpu.memref_slice %arg6[%add3A_163, %dma_wait3A_168] : memref<256x200xi32, #tpu.memory_space<vmem>> -> memref<1x48xi32, #tpu.memory_space<vmem>>
      %dma_wait3A_170 = tpu.memref_squeeze %dma_wait3A_169 : memref<1x48xi32, #tpu.memory_space<vmem>> -> memref<48xi32, #tpu.memory_space<vmem>>
      %dma_wait3A_171 = arith.constant 0 : i32
      %dma_wait3A_172 = arith.constant 0 : i32
      %dma_wait3A_173 = tpu.memref_slice %arg4[%dma_wait3A_171, %dma_wait3A_172] : memref<1000000x64xf32, #tpu.memory_space<hbm>> -> memref<1000000x64xf32, #tpu.memory_space<hbm>>
      tpu.wait_indirect_dma semaphore(%arg9 : memref<!tpu.dma_semaphore, #tpu.memory_space<semaphore_mem>>) src(%dma_wait3A_173 : memref<1000000x64xf32, #tpu.memory_space<hbm>>) dst(%dma_wait3A_167 : memref<48x64xf32, #tpu.memory_space<vmem>>)
      %dma_wait3A_174 = arith.constant 0 : i32
      %dma_wait3A_175 = arith.constant 48 : i32
      %dma_wait3A_176 = arith.constant 0 : i32
      %dma_wait3A_177 = tpu.memref_slice %arg7[%dma_wait3A_174, %dma_wait3A_175, %dma_wait3A_176] : memref<4x200x64xf32, #tpu.memory_space<vmem>> -> memref<1x48x64xf32, #tpu.memory_space<vmem>>
      %dma_wait3A_178 = tpu.memref_squeeze %dma_wait3A_177 : memref<1x48x64xf32, #tpu.memory_space<vmem>> -> memref<48x64xf32, #tpu.memory_space<vmem>>
      %dma_wait3A_179 = arith.constant 48 : i32
      %dma_wait3A_180 = tpu.memref_slice %arg6[%add3A_163, %dma_wait3A_179] : memref<256x200xi32, #tpu.memory_space<vmem>> -> memref<1x48xi32, #tpu.memory_space<vmem>>
      %dma_wait3A_181 = tpu.memref_squeeze %dma_wait3A_180 : memref<1x48xi32, #tpu.memory_space<vmem>> -> memref<48xi32, #tpu.memory_space<vmem>>
      %dma_wait3A_182 = arith.constant 0 : i32
      %dma_wait3A_183 = arith.constant 0 : i32
      %dma_wait3A_184 = tpu.memref_slice %arg4[%dma_wait3A_182, %dma_wait3A_183] : memref<1000000x64xf32, #tpu.memory_space<hbm>> -> memref<1000000x64xf32, #tpu.memory_space<hbm>>
      tpu.wait_indirect_dma semaphore(%arg9 : memref<!tpu.dma_semaphore, #tpu.memory_space<semaphore_mem>>) src(%dma_wait3A_184 : memref<1000000x64xf32, #tpu.memory_space<hbm>>) dst(%dma_wait3A_178 : memref<48x64xf32, #tpu.memory_space<vmem>>)
      %dma_wait3A_185 = arith.constant 0 : i32
      %dma_wait3A_186 = arith.constant 96 : i32
      %dma_wait3A_187 = arith.constant 0 : i32
      %dma_wait3A_188 = tpu.memref_slice %arg7[%dma_wait3A_185, %dma_wait3A_186, %dma_wait3A_187] : memref<4x200x64xf32, #tpu.memory_space<vmem>> -> memref<1x48x64xf32, #tpu.memory_space<vmem>>
      %dma_wait3A_189 = tpu.memref_squeeze %dma_wait3A_188 : memref<1x48x64xf32, #tpu.memory_space<vmem>> -> memref<48x64xf32, #tpu.memory_space<vmem>>
      %dma_wait3A_190 = arith.constant 96 : i32
      %dma_wait3A_191 = tpu.memref_slice %arg6[%add3A_163, %dma_wait3A_190] : memref<256x200xi32, #tpu.memory_space<vmem>> -> memref<1x48xi32, #tpu.memory_space<vmem>>
      %dma_wait3A_192 = tpu.memref_squeeze %dma_wait3A_191 : memref<1x48xi32, #tpu.memory_space<vmem>> -> memref<48xi32, #tpu.memory_space<vmem>>
      %dma_wait3A_193 = arith.constant 0 : i32
      %dma_wait3A_194 = arith.constant 0 : i32
      %dma_wait3A_195 = tpu.memref_slice %arg4[%dma_wait3A_193, %dma_wait3A_194] : memref<1000000x64xf32, #tpu.memory_space<hbm>> -> memref<1000000x64xf32, #tpu.memory_space<hbm>>
      tpu.wait_indirect_dma semaphore(%arg9 : memref<!tpu.dma_semaphore, #tpu.memory_space<semaphore_mem>>) src(%dma_wait3A_195 : memref<1000000x64xf32, #tpu.memory_space<hbm>>) dst(%dma_wait3A_189 : memref<48x64xf32, #tpu.memory_space<vmem>>)
      %dma_wait3A_196 = arith.constant 0 : i32
      %dma_wait3A_197 = arith.constant 144 : i32
      %dma_wait3A_198 = arith.constant 0 : i32
      %dma_wait3A_199 = tpu.memref_slice %arg7[%dma_wait3A_196, %dma_wait3A_197, %dma_wait3A_198] : memref<4x200x64xf32, #tpu.memory_space<vmem>> -> memref<1x56x64xf32, #tpu.memory_space<vmem>>
      %dma_wait3A_200 = tpu.memref_squeeze %dma_wait3A_199 : memref<1x56x64xf32, #tpu.memory_space<vmem>> -> memref<56x64xf32, #tpu.memory_space<vmem>>
      %dma_wait3A_201 = arith.constant 144 : i32
      %dma_wait3A_202 = tpu.memref_slice %arg6[%add3A_163, %dma_wait3A_201] : memref<256x200xi32, #tpu.memory_space<vmem>> -> memref<1x56xi32, #tpu.memory_space<vmem>>
      %dma_wait3A_203 = tpu.memref_squeeze %dma_wait3A_202 : memref<1x56xi32, #tpu.memory_space<vmem>> -> memref<56xi32, #tpu.memory_space<vmem>>
      %dma_wait3A_204 = arith.constant 0 : i32
      %dma_wait3A_205 = arith.constant 0 : i32
      %dma_wait3A_206 = tpu.memref_slice %arg4[%dma_wait3A_204, %dma_wait3A_205] : memref<1000000x64xf32, #tpu.memory_space<hbm>> -> memref<1000000x64xf32, #tpu.memory_space<hbm>>
      tpu.wait_indirect_dma semaphore(%arg9 : memref<!tpu.dma_semaphore, #tpu.memory_space<semaphore_mem>>) src(%dma_wait3A_206 : memref<1000000x64xf32, #tpu.memory_space<hbm>>) dst(%dma_wait3A_200 : memref<56x64xf32, #tpu.memory_space<vmem>>)
      %add3A_207 = arith.constant 3 : i32
      %add3A_208 = arith.addi %add3A_163, %add3A_207 : i32
      %lt3A_209 = arith.constant 256 : i32
      %lt3A_210 = arith.cmpi slt, %add3A_208, %lt3A_209 : i32
      %convert_element_type3A_211 = arith.extui %lt3A_210 : i1 to i32
      %cond3A_212 = arith.constant 0 : i32
      %cond3A_213 = arith.cmpi ne, %convert_element_type3A_211, %cond3A_212 : i32
      scf.if %cond3A_213 {
        %dma_start3A_519 = arith.constant 3 : i32
        %dma_start3A_520 = arith.constant 0 : i32
        %dma_start3A_521 = arith.constant 0 : i32
        %dma_start3A_522 = tpu.memref_slice %arg7[%dma_start3A_519, %dma_start3A_520, %dma_start3A_521] : memref<4x200x64xf32, #tpu.memory_space<vmem>> -> memref<1x48x64xf32, #tpu.memory_space<vmem>>
        %dma_start3A_523 = tpu.memref_squeeze %dma_start3A_522 : memref<1x48x64xf32, #tpu.memory_space<vmem>> -> memref<48x64xf32, #tpu.memory_space<vmem>>
        %dma_start3A_524 = arith.constant 0 : i32
        %dma_start3A_525 = tpu.memref_slice %arg6[%add3A_208, %dma_start3A_524] : memref<256x200xi32, #tpu.memory_space<vmem>> -> memref<1x48xi32, #tpu.memory_space<vmem>>
        %dma_start3A_526 = tpu.memref_squeeze %dma_start3A_525 : memref<1x48xi32, #tpu.memory_space<vmem>> -> memref<48xi32, #tpu.memory_space<vmem>>
        %dma_start3A_527 = arith.constant 0 : i32
        %dma_start3A_528 = arith.constant 0 : i32
        %dma_start3A_529 = tpu.memref_slice %arg4[%dma_start3A_527, %dma_start3A_528] : memref<1000000x64xf32, #tpu.memory_space<hbm>> -> memref<1000000x64xf32, #tpu.memory_space<hbm>>
        tpu.enqueue_indirect_dma source(%dma_start3A_529 : memref<1000000x64xf32, #tpu.memory_space<hbm>>) target(%dma_start3A_523 : memref<48x64xf32, #tpu.memory_space<vmem>>) offsets(%dma_start3A_526 : memref<48xi32, #tpu.memory_space<vmem>>) semaphore(%arg12 : memref<!tpu.dma_semaphore, #tpu.memory_space<semaphore_mem>>)
        %dma_start3A_530 = arith.constant 3 : i32
        %dma_start3A_531 = arith.constant 48 : i32
        %dma_start3A_532 = arith.constant 0 : i32
        %dma_start3A_533 = tpu.memref_slice %arg7[%dma_start3A_530, %dma_start3A_531, %dma_start3A_532] : memref<4x200x64xf32, #tpu.memory_space<vmem>> -> memref<1x48x64xf32, #tpu.memory_space<vmem>>
        %dma_start3A_534 = tpu.memref_squeeze %dma_start3A_533 : memref<1x48x64xf32, #tpu.memory_space<vmem>> -> memref<48x64xf32, #tpu.memory_space<vmem>>
        %dma_start3A_535 = arith.constant 48 : i32
        %dma_start3A_536 = tpu.memref_slice %arg6[%add3A_208, %dma_start3A_535] : memref<256x200xi32, #tpu.memory_space<vmem>> -> memref<1x48xi32, #tpu.memory_space<vmem>>
        %dma_start3A_537 = tpu.memref_squeeze %dma_start3A_536 : memref<1x48xi32, #tpu.memory_space<vmem>> -> memref<48xi32, #tpu.memory_space<vmem>>
        %dma_start3A_538 = arith.constant 0 : i32
        %dma_start3A_539 = arith.constant 0 : i32
        %dma_start3A_540 = tpu.memref_slice %arg4[%dma_start3A_538, %dma_start3A_539] : memref<1000000x64xf32, #tpu.memory_space<hbm>> -> memref<1000000x64xf32, #tpu.memory_space<hbm>>
        tpu.enqueue_indirect_dma source(%dma_start3A_540 : memref<1000000x64xf32, #tpu.memory_space<hbm>>) target(%dma_start3A_534 : memref<48x64xf32, #tpu.memory_space<vmem>>) offsets(%dma_start3A_537 : memref<48xi32, #tpu.memory_space<vmem>>) semaphore(%arg12 : memref<!tpu.dma_semaphore, #tpu.memory_space<semaphore_mem>>)
        %dma_start3A_541 = arith.constant 3 : i32
        %dma_start3A_542 = arith.constant 96 : i32
        %dma_start3A_543 = arith.constant 0 : i32
        %dma_start3A_544 = tpu.memref_slice %arg7[%dma_start3A_541, %dma_start3A_542, %dma_start3A_543] : memref<4x200x64xf32, #tpu.memory_space<vmem>> -> memref<1x48x64xf32, #tpu.memory_space<vmem>>
        %dma_start3A_545 = tpu.memref_squeeze %dma_start3A_544 : memref<1x48x64xf32, #tpu.memory_space<vmem>> -> memref<48x64xf32, #tpu.memory_space<vmem>>
        %dma_start3A_546 = arith.constant 96 : i32
        %dma_start3A_547 = tpu.memref_slice %arg6[%add3A_208, %dma_start3A_546] : memref<256x200xi32, #tpu.memory_space<vmem>> -> memref<1x48xi32, #tpu.memory_space<vmem>>
        %dma_start3A_548 = tpu.memref_squeeze %dma_start3A_547 : memref<1x48xi32, #tpu.memory_space<vmem>> -> memref<48xi32, #tpu.memory_space<vmem>>
        %dma_start3A_549 = arith.constant 0 : i32
        %dma_start3A_550 = arith.constant 0 : i32
        %dma_start3A_551 = tpu.memref_slice %arg4[%dma_start3A_549, %dma_start3A_550] : memref<1000000x64xf32, #tpu.memory_space<hbm>> -> memref<1000000x64xf32, #tpu.memory_space<hbm>>
        tpu.enqueue_indirect_dma source(%dma_start3A_551 : memref<1000000x64xf32, #tpu.memory_space<hbm>>) target(%dma_start3A_545 : memref<48x64xf32, #tpu.memory_space<vmem>>) offsets(%dma_start3A_548 : memref<48xi32, #tpu.memory_space<vmem>>) semaphore(%arg12 : memref<!tpu.dma_semaphore, #tpu.memory_space<semaphore_mem>>)
        %dma_start3A_552 = arith.constant 3 : i32
        %dma_start3A_553 = arith.constant 144 : i32
        %dma_start3A_554 = arith.constant 0 : i32
        %dma_start3A_555 = tpu.memref_slice %arg7[%dma_start3A_552, %dma_start3A_553, %dma_start3A_554] : memref<4x200x64xf32, #tpu.memory_space<vmem>> -> memref<1x56x64xf32, #tpu.memory_space<vmem>>
        %dma_start3A_556 = tpu.memref_squeeze %dma_start3A_555 : memref<1x56x64xf32, #tpu.memory_space<vmem>> -> memref<56x64xf32, #tpu.memory_space<vmem>>
        %dma_start3A_557 = arith.constant 144 : i32
        %dma_start3A_558 = tpu.memref_slice %arg6[%add3A_208, %dma_start3A_557] : memref<256x200xi32, #tpu.memory_space<vmem>> -> memref<1x56xi32, #tpu.memory_space<vmem>>
        %dma_start3A_559 = tpu.memref_squeeze %dma_start3A_558 : memref<1x56xi32, #tpu.memory_space<vmem>> -> memref<56xi32, #tpu.memory_space<vmem>>
        %dma_start3A_560 = arith.constant 0 : i32
        %dma_start3A_561 = arith.constant 0 : i32
        %dma_start3A_562 = tpu.memref_slice %arg4[%dma_start3A_560, %dma_start3A_561] : memref<1000000x64xf32, #tpu.memory_space<hbm>> -> memref<1000000x64xf32, #tpu.memory_space<hbm>>
        tpu.enqueue_indirect_dma source(%dma_start3A_562 : memref<1000000x64xf32, #tpu.memory_space<hbm>>) target(%dma_start3A_556 : memref<56x64xf32, #tpu.memory_space<vmem>>) offsets(%dma_start3A_559 : memref<56xi32, #tpu.memory_space<vmem>>) semaphore(%arg12 : memref<!tpu.dma_semaphore, #tpu.memory_space<semaphore_mem>>)
      } else {
      }
      %broadcast_in_dim3A = arith.constant 0.000000e+00 : f32
      %broadcast_in_dim3A_214 = vector.broadcast %broadcast_in_dim3A : f32 to vector<16xf32>
      %scan3A_215 = arith.constant 0 : i32
      %scan3A_216 = arith.constant 0 : i32
      %scan3A_217 = arith.constant 50 : i32
      %scan3A_218 = arith.addi %scan3A_216, %scan3A_217 : i32
      %scan3A_219 = arith.constant 1 : i32
      %scan3A_220:4 = scf.for %scan3A_519 = %scan3A_216 to %scan3A_218 step %scan3A_219 iter_args(%scan3A_520 = %broadcast_in_dim3A_214, %scan3A_521 = %broadcast_in_dim3A_214, %scan3A_522 = %broadcast_in_dim3A_214, %scan3A_523 = %broadcast_in_dim3A_214) -> (vector<16xf32>, vector<16xf32>, vector<16xf32>, vector<16xf32>)  : i32 {
        %mul3A_524 = arith.constant 4 : i32
        %mul3A_525 = arith.muli %scan3A_519, %mul3A_524 : i32
        %add3A_526 = arith.constant 0 : i32
        %add3A_527 = arith.addi %mul3A_525, %add3A_526 : i32
        %get3A = arith.constant 0 : i32
        %get3A_528 = arith.constant 0 : i32
        %get3A_529 = tpu.memref_slice %arg7[%scan3A_215, %get3A, %get3A_528] : memref<4x200x64xf32, #tpu.memory_space<vmem>> -> memref<1x200x64xf32, #tpu.memory_space<vmem>>
        %get3A_530 = tpu.memref_squeeze %get3A_529 : memref<1x200x64xf32, #tpu.memory_space<vmem>> -> memref<200x64xf32, #tpu.memory_space<vmem>>
        %get3A_531 = arith.index_cast %add3A_527 : i32 to index
        %get3A_532 = arith.constant 0 : index
        %get3A_533 = tpu.vector_load %get3A_530[%get3A_531, %get3A_532] {strides = array<i32>} : memref<200x64xf32, #tpu.memory_space<vmem>>, vector<1x16xf32>,
        %get3A_534 = vector.shape_cast %get3A_533 : vector<1x16xf32> to vector<16xf32>
        %add3A_535 = arith.addf %scan3A_520, %get3A_534 : vector<16xf32>
        %get3A_536 = arith.constant 0 : i32
        %get3A_537 = arith.constant 0 : i32
        %get3A_538 = tpu.memref_slice %arg7[%scan3A_215, %get3A_536, %get3A_537] : memref<4x200x64xf32, #tpu.memory_space<vmem>> -> memref<1x200x64xf32, #tpu.memory_space<vmem>>
        %get3A_539 = tpu.memref_squeeze %get3A_538 : memref<1x200x64xf32, #tpu.memory_space<vmem>> -> memref<200x64xf32, #tpu.memory_space<vmem>>
        %get3A_540 = arith.index_cast %add3A_527 : i32 to index
        %get3A_541 = arith.constant 16 : index
        %get3A_542 = tpu.vector_load %get3A_539[%get3A_540, %get3A_541] {strides = array<i32>} : memref<200x64xf32, #tpu.memory_space<vmem>>, vector<1x16xf32>,
        %get3A_543 = vector.shape_cast %get3A_542 : vector<1x16xf32> to vector<16xf32>
        %add3A_544 = arith.addf %scan3A_521, %get3A_543 : vector<16xf32>
        %get3A_545 = arith.constant 0 : i32
        %get3A_546 = arith.constant 0 : i32
        %get3A_547 = tpu.memref_slice %arg7[%scan3A_215, %get3A_545, %get3A_546] : memref<4x200x64xf32, #tpu.memory_space<vmem>> -> memref<1x200x64xf32, #tpu.memory_space<vmem>>
        %get3A_548 = tpu.memref_squeeze %get3A_547 : memref<1x200x64xf32, #tpu.memory_space<vmem>> -> memref<200x64xf32, #tpu.memory_space<vmem>>
        %get3A_549 = arith.index_cast %add3A_527 : i32 to index
        %get3A_550 = arith.constant 32 : index
        %get3A_551 = tpu.vector_load %get3A_548[%get3A_549, %get3A_550] {strides = array<i32>} : memref<200x64xf32, #tpu.memory_space<vmem>>, vector<1x16xf32>,
        %get3A_552 = vector.shape_cast %get3A_551 : vector<1x16xf32> to vector<16xf32>
        %add3A_553 = arith.addf %scan3A_522, %get3A_552 : vector<16xf32>
        %get3A_554 = arith.constant 0 : i32
        %get3A_555 = arith.constant 0 : i32
        %get3A_556 = tpu.memref_slice %arg7[%scan3A_215, %get3A_554, %get3A_555] : memref<4x200x64xf32, #tpu.memory_space<vmem>> -> memref<1x200x64xf32, #tpu.memory_space<vmem>>
        %get3A_557 = tpu.memref_squeeze %get3A_556 : memref<1x200x64xf32, #tpu.memory_space<vmem>> -> memref<200x64xf32, #tpu.memory_space<vmem>>
        %get3A_558 = arith.index_cast %add3A_527 : i32 to index
        %get3A_559 = arith.constant 48 : index
        %get3A_560 = tpu.vector_load %get3A_557[%get3A_558, %get3A_559] {strides = array<i32>} : memref<200x64xf32, #tpu.memory_space<vmem>>, vector<1x16xf32>,
        %get3A_561 = vector.shape_cast %get3A_560 : vector<1x16xf32> to vector<16xf32>
        %add3A_562 = arith.addf %scan3A_523, %get3A_561 : vector<16xf32>
        %mul3A_563 = arith.constant 4 : i32
        %mul3A_564 = arith.muli %scan3A_519, %mul3A_563 : i32
        %add3A_565 = arith.constant 1 : i32
        %add3A_566 = arith.addi %mul3A_564, %add3A_565 : i32
        %get3A_567 = arith.constant 0 : i32
        %get3A_568 = arith.constant 0 : i32
        %get3A_569 = tpu.memref_slice %arg7[%scan3A_215, %get3A_567, %get3A_568] : memref<4x200x64xf32, #tpu.memory_space<vmem>> -> memref<1x200x64xf32, #tpu.memory_space<vmem>>
        %get3A_570 = tpu.memref_squeeze %get3A_569 : memref<1x200x64xf32, #tpu.memory_space<vmem>> -> memref<200x64xf32, #tpu.memory_space<vmem>>
        %get3A_571 = arith.index_cast %add3A_566 : i32 to index
        %get3A_572 = arith.constant 0 : index
        %get3A_573 = tpu.vector_load %get3A_570[%get3A_571, %get3A_572] {strides = array<i32>} : memref<200x64xf32, #tpu.memory_space<vmem>>, vector<1x16xf32>,
        %get3A_574 = vector.shape_cast %get3A_573 : vector<1x16xf32> to vector<16xf32>
        %add3A_575 = arith.addf %add3A_535, %get3A_574 : vector<16xf32>
        %get3A_576 = arith.constant 0 : i32
        %get3A_577 = arith.constant 0 : i32
        %get3A_578 = tpu.memref_slice %arg7[%scan3A_215, %get3A_576, %get3A_577] : memref<4x200x64xf32, #tpu.memory_space<vmem>> -> memref<1x200x64xf32, #tpu.memory_space<vmem>>
        %get3A_579 = tpu.memref_squeeze %get3A_578 : memref<1x200x64xf32, #tpu.memory_space<vmem>> -> memref<200x64xf32, #tpu.memory_space<vmem>>
        %get3A_580 = arith.index_cast %add3A_566 : i32 to index
        %get3A_581 = arith.constant 16 : index
        %get3A_582 = tpu.vector_load %get3A_579[%get3A_580, %get3A_581] {strides = array<i32>} : memref<200x64xf32, #tpu.memory_space<vmem>>, vector<1x16xf32>,
        %get3A_583 = vector.shape_cast %get3A_582 : vector<1x16xf32> to vector<16xf32>
        %add3A_584 = arith.addf %add3A_544, %get3A_583 : vector<16xf32>
        %get3A_585 = arith.constant 0 : i32
        %get3A_586 = arith.constant 0 : i32
        %get3A_587 = tpu.memref_slice %arg7[%scan3A_215, %get3A_585, %get3A_586] : memref<4x200x64xf32, #tpu.memory_space<vmem>> -> memref<1x200x64xf32, #tpu.memory_space<vmem>>
        %get3A_588 = tpu.memref_squeeze %get3A_587 : memref<1x200x64xf32, #tpu.memory_space<vmem>> -> memref<200x64xf32, #tpu.memory_space<vmem>>
        %get3A_589 = arith.index_cast %add3A_566 : i32 to index
        %get3A_590 = arith.constant 32 : index
        %get3A_591 = tpu.vector_load %get3A_588[%get3A_589, %get3A_590] {strides = array<i32>} : memref<200x64xf32, #tpu.memory_space<vmem>>, vector<1x16xf32>,
        %get3A_592 = vector.shape_cast %get3A_591 : vector<1x16xf32> to vector<16xf32>
        %add3A_593 = arith.addf %add3A_553, %get3A_592 : vector<16xf32>
        %get3A_594 = arith.constant 0 : i32
        %get3A_595 = arith.constant 0 : i32
        %get3A_596 = tpu.memref_slice %arg7[%scan3A_215, %get3A_594, %get3A_595] : memref<4x200x64xf32, #tpu.memory_space<vmem>> -> memref<1x200x64xf32, #tpu.memory_space<vmem>>
        %get3A_597 = tpu.memref_squeeze %get3A_596 : memref<1x200x64xf32, #tpu.memory_space<vmem>> -> memref<200x64xf32, #tpu.memory_space<vmem>>
        %get3A_598 = arith.index_cast %add3A_566 : i32 to index
        %get3A_599 = arith.constant 48 : index
        %get3A_600 = tpu.vector_load %get3A_597[%get3A_598, %get3A_599] {strides = array<i32>} : memref<200x64xf32, #tpu.memory_space<vmem>>, vector<1x16xf32>,
        %get3A_601 = vector.shape_cast %get3A_600 : vector<1x16xf32> to vector<16xf32>
        %add3A_602 = arith.addf %add3A_562, %get3A_601 : vector<16xf32>
        %mul3A_603 = arith.constant 4 : i32
        %mul3A_604 = arith.muli %scan3A_519, %mul3A_603 : i32
        %add3A_605 = arith.constant 2 : i32
        %add3A_606 = arith.addi %mul3A_604, %add3A_605 : i32
        %get3A_607 = arith.constant 0 : i32
        %get3A_608 = arith.constant 0 : i32
        %get3A_609 = tpu.memref_slice %arg7[%scan3A_215, %get3A_607, %get3A_608] : memref<4x200x64xf32, #tpu.memory_space<vmem>> -> memref<1x200x64xf32, #tpu.memory_space<vmem>>
        %get3A_610 = tpu.memref_squeeze %get3A_609 : memref<1x200x64xf32, #tpu.memory_space<vmem>> -> memref<200x64xf32, #tpu.memory_space<vmem>>
        %get3A_611 = arith.index_cast %add3A_606 : i32 to index
        %get3A_612 = arith.constant 0 : index
        %get3A_613 = tpu.vector_load %get3A_610[%get3A_611, %get3A_612] {strides = array<i32>} : memref<200x64xf32, #tpu.memory_space<vmem>>, vector<1x16xf32>,
        %get3A_614 = vector.shape_cast %get3A_613 : vector<1x16xf32> to vector<16xf32>
        %add3A_615 = arith.addf %add3A_575, %get3A_614 : vector<16xf32>
        %get3A_616 = arith.constant 0 : i32
        %get3A_617 = arith.constant 0 : i32
        %get3A_618 = tpu.memref_slice %arg7[%scan3A_215, %get3A_616, %get3A_617] : memref<4x200x64xf32, #tpu.memory_space<vmem>> -> memref<1x200x64xf32, #tpu.memory_space<vmem>>
        %get3A_619 = tpu.memref_squeeze %get3A_618 : memref<1x200x64xf32, #tpu.memory_space<vmem>> -> memref<200x64xf32, #tpu.memory_space<vmem>>
        %get3A_620 = arith.index_cast %add3A_606 : i32 to index
        %get3A_621 = arith.constant 16 : index
        %get3A_622 = tpu.vector_load %get3A_619[%get3A_620, %get3A_621] {strides = array<i32>} : memref<200x64xf32, #tpu.memory_space<vmem>>, vector<1x16xf32>,
        %get3A_623 = vector.shape_cast %get3A_622 : vector<1x16xf32> to vector<16xf32>
        %add3A_624 = arith.addf %add3A_584, %get3A_623 : vector<16xf32>
        %get3A_625 = arith.constant 0 : i32
        %get3A_626 = arith.constant 0 : i32
        %get3A_627 = tpu.memref_slice %arg7[%scan3A_215, %get3A_625, %get3A_626] : memref<4x200x64xf32, #tpu.memory_space<vmem>> -> memref<1x200x64xf32, #tpu.memory_space<vmem>>
        %get3A_628 = tpu.memref_squeeze %get3A_627 : memref<1x200x64xf32, #tpu.memory_space<vmem>> -> memref<200x64xf32, #tpu.memory_space<vmem>>
        %get3A_629 = arith.index_cast %add3A_606 : i32 to index
        %get3A_630 = arith.constant 32 : index
        %get3A_631 = tpu.vector_load %get3A_628[%get3A_629, %get3A_630] {strides = array<i32>} : memref<200x64xf32, #tpu.memory_space<vmem>>, vector<1x16xf32>,
        %get3A_632 = vector.shape_cast %get3A_631 : vector<1x16xf32> to vector<16xf32>
        %add3A_633 = arith.addf %add3A_593, %get3A_632 : vector<16xf32>
        %get3A_634 = arith.constant 0 : i32
        %get3A_635 = arith.constant 0 : i32
        %get3A_636 = tpu.memref_slice %arg7[%scan3A_215, %get3A_634, %get3A_635] : memref<4x200x64xf32, #tpu.memory_space<vmem>> -> memref<1x200x64xf32, #tpu.memory_space<vmem>>
        %get3A_637 = tpu.memref_squeeze %get3A_636 : memref<1x200x64xf32, #tpu.memory_space<vmem>> -> memref<200x64xf32, #tpu.memory_space<vmem>>
        %get3A_638 = arith.index_cast %add3A_606 : i32 to index
        %get3A_639 = arith.constant 48 : index
        %get3A_640 = tpu.vector_load %get3A_637[%get3A_638, %get3A_639] {strides = array<i32>} : memref<200x64xf32, #tpu.memory_space<vmem>>, vector<1x16xf32>,
        %get3A_641 = vector.shape_cast %get3A_640 : vector<1x16xf32> to vector<16xf32>
        %add3A_642 = arith.addf %add3A_602, %get3A_641 : vector<16xf32>
        %mul3A_643 = arith.constant 4 : i32
        %mul3A_644 = arith.muli %scan3A_519, %mul3A_643 : i32
        %add3A_645 = arith.constant 3 : i32
        %add3A_646 = arith.addi %mul3A_644, %add3A_645 : i32
        %get3A_647 = arith.constant 0 : i32
        %get3A_648 = arith.constant 0 : i32
        %get3A_649 = tpu.memref_slice %arg7[%scan3A_215, %get3A_647, %get3A_648] : memref<4x200x64xf32, #tpu.memory_space<vmem>> -> memref<1x200x64xf32, #tpu.memory_space<vmem>>
        %get3A_650 = tpu.memref_squeeze %get3A_649 : memref<1x200x64xf32, #tpu.memory_space<vmem>> -> memref<200x64xf32, #tpu.memory_space<vmem>>
        %get3A_651 = arith.index_cast %add3A_646 : i32 to index
        %get3A_652 = arith.constant 0 : index
        %get3A_653 = tpu.vector_load %get3A_650[%get3A_651, %get3A_652] {strides = array<i32>} : memref<200x64xf32, #tpu.memory_space<vmem>>, vector<1x16xf32>,
        %get3A_654 = vector.shape_cast %get3A_653 : vector<1x16xf32> to vector<16xf32>
        %add3A_655 = arith.addf %add3A_615, %get3A_654 : vector<16xf32>
        %get3A_656 = arith.constant 0 : i32
        %get3A_657 = arith.constant 0 : i32
        %get3A_658 = tpu.memref_slice %arg7[%scan3A_215, %get3A_656, %get3A_657] : memref<4x200x64xf32, #tpu.memory_space<vmem>> -> memref<1x200x64xf32, #tpu.memory_space<vmem>>
        %get3A_659 = tpu.memref_squeeze %get3A_658 : memref<1x200x64xf32, #tpu.memory_space<vmem>> -> memref<200x64xf32, #tpu.memory_space<vmem>>
        %get3A_660 = arith.index_cast %add3A_646 : i32 to index
        %get3A_661 = arith.constant 16 : index
        %get3A_662 = tpu.vector_load %get3A_659[%get3A_660, %get3A_661] {strides = array<i32>} : memref<200x64xf32, #tpu.memory_space<vmem>>, vector<1x16xf32>,
        %get3A_663 = vector.shape_cast %get3A_662 : vector<1x16xf32> to vector<16xf32>
        %add3A_664 = arith.addf %add3A_624, %get3A_663 : vector<16xf32>
        %get3A_665 = arith.constant 0 : i32
        %get3A_666 = arith.constant 0 : i32
        %get3A_667 = tpu.memref_slice %arg7[%scan3A_215, %get3A_665, %get3A_666] : memref<4x200x64xf32, #tpu.memory_space<vmem>> -> memref<1x200x64xf32, #tpu.memory_space<vmem>>
        %get3A_668 = tpu.memref_squeeze %get3A_667 : memref<1x200x64xf32, #tpu.memory_space<vmem>> -> memref<200x64xf32, #tpu.memory_space<vmem>>
        %get3A_669 = arith.index_cast %add3A_646 : i32 to index
        %get3A_670 = arith.constant 32 : index
        %get3A_671 = tpu.vector_load %get3A_668[%get3A_669, %get3A_670] {strides = array<i32>} : memref<200x64xf32, #tpu.memory_space<vmem>>, vector<1x16xf32>,
        %get3A_672 = vector.shape_cast %get3A_671 : vector<1x16xf32> to vector<16xf32>
        %add3A_673 = arith.addf %add3A_633, %get3A_672 : vector<16xf32>
        %get3A_674 = arith.constant 0 : i32
        %get3A_675 = arith.constant 0 : i32
        %get3A_676 = tpu.memref_slice %arg7[%scan3A_215, %get3A_674, %get3A_675] : memref<4x200x64xf32, #tpu.memory_space<vmem>> -> memref<1x200x64xf32, #tpu.memory_space<vmem>>
        %get3A_677 = tpu.memref_squeeze %get3A_676 : memref<1x200x64xf32, #tpu.memory_space<vmem>> -> memref<200x64xf32, #tpu.memory_space<vmem>>
        %get3A_678 = arith.index_cast %add3A_646 : i32 to index
        %get3A_679 = arith.constant 48 : index
        %get3A_680 = tpu.vector_load %get3A_677[%get3A_678, %get3A_679] {strides = array<i32>} : memref<200x64xf32, #tpu.memory_space<vmem>>, vector<1x16xf32>,
        %get3A_681 = vector.shape_cast %get3A_680 : vector<1x16xf32> to vector<16xf32>
        %add3A_682 = arith.addf %add3A_642, %get3A_681 : vector<16xf32>
        scf.yield %add3A_655, %add3A_664, %add3A_673, %add3A_682 : vector<16xf32>, vector<16xf32>, vector<16xf32>, vector<16xf32>
      }
      %scan3A_221 = arith.constant 50 : i32
      %mul3A_222 = vector.broadcast %scan3A : f32 to vector<16xf32>
      %mul3A_223 = arith.mulf %scan3A_220#0, %mul3A_222 : vector<16xf32>
      %swap3A = arith.index_cast %add3A_163 : i32 to index
      %swap3A_224 = arith.constant 0 : index
      %swap3A_225 = tpu.vector_load %arg8[%swap3A, %swap3A_224] {strides = array<i32>} : memref<256x64xf32, #tpu.memory_space<vmem>>, vector<1x16xf32>,
      %swap3A_226 = vector.shape_cast %swap3A_225 : vector<1x16xf32> to vector<16xf32>
      %swap3A_227 = vector.shape_cast %mul3A_223 : vector<16xf32> to vector<1x16xf32>
      tpu.vector_store %arg8[%swap3A, %swap3A_224], %swap3A_227 {strides = array<i32>} : memref<256x64xf32, #tpu.memory_space<vmem>>, vector<1x16xf32>,
      %mul3A_228 = vector.broadcast %scan3A : f32 to vector<16xf32>
      %mul3A_229 = arith.mulf %scan3A_220#1, %mul3A_228 : vector<16xf32>
      %swap3A_230 = arith.index_cast %add3A_163 : i32 to index
      %swap3A_231 = arith.constant 16 : index
      %swap3A_232 = tpu.vector_load %arg8[%swap3A_230, %swap3A_231] {strides = array<i32>} : memref<256x64xf32, #tpu.memory_space<vmem>>, vector<1x16xf32>,
      %swap3A_233 = vector.shape_cast %swap3A_232 : vector<1x16xf32> to vector<16xf32>
      %swap3A_234 = vector.shape_cast %mul3A_229 : vector<16xf32> to vector<1x16xf32>
      tpu.vector_store %arg8[%swap3A_230, %swap3A_231], %swap3A_234 {strides = array<i32>} : memref<256x64xf32, #tpu.memory_space<vmem>>, vector<1x16xf32>,
      %mul3A_235 = vector.broadcast %scan3A : f32 to vector<16xf32>
      %mul3A_236 = arith.mulf %scan3A_220#2, %mul3A_235 : vector<16xf32>
      %swap3A_237 = arith.index_cast %add3A_163 : i32 to index
      %swap3A_238 = arith.constant 32 : index
      %swap3A_239 = tpu.vector_load %arg8[%swap3A_237, %swap3A_238] {strides = array<i32>} : memref<256x64xf32, #tpu.memory_space<vmem>>, vector<1x16xf32>,
      %swap3A_240 = vector.shape_cast %swap3A_239 : vector<1x16xf32> to vector<16xf32>
      %swap3A_241 = vector.shape_cast %mul3A_236 : vector<16xf32> to vector<1x16xf32>
      tpu.vector_store %arg8[%swap3A_237, %swap3A_238], %swap3A_241 {strides = array<i32>} : memref<256x64xf32, #tpu.memory_space<vmem>>, vector<1x16xf32>,
      %mul3A_242 = vector.broadcast %scan3A : f32 to vector<16xf32>
      %mul3A_243 = arith.mulf %scan3A_220#3, %mul3A_242 : vector<16xf32>
      %swap3A_244 = arith.index_cast %add3A_163 : i32 to index
      %swap3A_245 = arith.constant 48 : index
      %swap3A_246 = tpu.vector_load %arg8[%swap3A_244, %swap3A_245] {strides = array<i32>} : memref<256x64xf32, #tpu.memory_space<vmem>>, vector<1x16xf32>,
      %swap3A_247 = vector.shape_cast %swap3A_246 : vector<1x16xf32> to vector<16xf32>
      %swap3A_248 = vector.shape_cast %mul3A_243 : vector<16xf32> to vector<1x16xf32>
      tpu.vector_store %arg8[%swap3A_244, %swap3A_245], %swap3A_248 {strides = array<i32>} : memref<256x64xf32, #tpu.memory_space<vmem>>, vector<1x16xf32>,
      %add3A_249 = arith.constant 1 : i32
      %add3A_250 = arith.addi %add3A_161, %add3A_249 : i32
      %dma_wait3A_251 = arith.constant 1 : i32
      %dma_wait3A_252 = arith.constant 0 : i32
      %dma_wait3A_253 = arith.constant 0 : i32
      %dma_wait3A_254 = tpu.memref_slice %arg7[%dma_wait3A_251, %dma_wait3A_252, %dma_wait3A_253] : memref<4x200x64xf32, #tpu.memory_space<vmem>> -> memref<1x48x64xf32, #tpu.memory_space<vmem>>
      %dma_wait3A_255 = tpu.memref_squeeze %dma_wait3A_254 : memref<1x48x64xf32, #tpu.memory_space<vmem>> -> memref<48x64xf32, #tpu.memory_space<vmem>>
      %dma_wait3A_256 = arith.constant 0 : i32
      %dma_wait3A_257 = tpu.memref_slice %arg6[%add3A_250, %dma_wait3A_256] : memref<256x200xi32, #tpu.memory_space<vmem>> -> memref<1x48xi32, #tpu.memory_space<vmem>>
      %dma_wait3A_258 = tpu.memref_squeeze %dma_wait3A_257 : memref<1x48xi32, #tpu.memory_space<vmem>> -> memref<48xi32, #tpu.memory_space<vmem>>
      %dma_wait3A_259 = arith.constant 0 : i32
      %dma_wait3A_260 = arith.constant 0 : i32
      %dma_wait3A_261 = tpu.memref_slice %arg4[%dma_wait3A_259, %dma_wait3A_260] : memref<1000000x64xf32, #tpu.memory_space<hbm>> -> memref<1000000x64xf32, #tpu.memory_space<hbm>>
      tpu.wait_indirect_dma semaphore(%arg10 : memref<!tpu.dma_semaphore, #tpu.memory_space<semaphore_mem>>) src(%dma_wait3A_261 : memref<1000000x64xf32, #tpu.memory_space<hbm>>) dst(%dma_wait3A_255 : memref<48x64xf32, #tpu.memory_space<vmem>>)
      %dma_wait3A_262 = arith.constant 1 : i32
      %dma_wait3A_263 = arith.constant 48 : i32
      %dma_wait3A_264 = arith.constant 0 : i32
      %dma_wait3A_265 = tpu.memref_slice %arg7[%dma_wait3A_262, %dma_wait3A_263, %dma_wait3A_264] : memref<4x200x64xf32, #tpu.memory_space<vmem>> -> memref<1x48x64xf32, #tpu.memory_space<vmem>>
      %dma_wait3A_266 = tpu.memref_squeeze %dma_wait3A_265 : memref<1x48x64xf32, #tpu.memory_space<vmem>> -> memref<48x64xf32, #tpu.memory_space<vmem>>
      %dma_wait3A_267 = arith.constant 48 : i32
      %dma_wait3A_268 = tpu.memref_slice %arg6[%add3A_250, %dma_wait3A_267] : memref<256x200xi32, #tpu.memory_space<vmem>> -> memref<1x48xi32, #tpu.memory_space<vmem>>
      %dma_wait3A_269 = tpu.memref_squeeze %dma_wait3A_268 : memref<1x48xi32, #tpu.memory_space<vmem>> -> memref<48xi32, #tpu.memory_space<vmem>>
      %dma_wait3A_270 = arith.constant 0 : i32
      %dma_wait3A_271 = arith.constant 0 : i32
      %dma_wait3A_272 = tpu.memref_slice %arg4[%dma_wait3A_270, %dma_wait3A_271] : memref<1000000x64xf32, #tpu.memory_space<hbm>> -> memref<1000000x64xf32, #tpu.memory_space<hbm>>
      tpu.wait_indirect_dma semaphore(%arg10 : memref<!tpu.dma_semaphore, #tpu.memory_space<semaphore_mem>>) src(%dma_wait3A_272 : memref<1000000x64xf32, #tpu.memory_space<hbm>>) dst(%dma_wait3A_266 : memref<48x64xf32, #tpu.memory_space<vmem>>)
      %dma_wait3A_273 = arith.constant 1 : i32
      %dma_wait3A_274 = arith.constant 96 : i32
      %dma_wait3A_275 = arith.constant 0 : i32
      %dma_wait3A_276 = tpu.memref_slice %arg7[%dma_wait3A_273, %dma_wait3A_274, %dma_wait3A_275] : memref<4x200x64xf32, #tpu.memory_space<vmem>> -> memref<1x48x64xf32, #tpu.memory_space<vmem>>
      %dma_wait3A_277 = tpu.memref_squeeze %dma_wait3A_276 : memref<1x48x64xf32, #tpu.memory_space<vmem>> -> memref<48x64xf32, #tpu.memory_space<vmem>>
      %dma_wait3A_278 = arith.constant 96 : i32
      %dma_wait3A_279 = tpu.memref_slice %arg6[%add3A_250, %dma_wait3A_278] : memref<256x200xi32, #tpu.memory_space<vmem>> -> memref<1x48xi32, #tpu.memory_space<vmem>>
      %dma_wait3A_280 = tpu.memref_squeeze %dma_wait3A_279 : memref<1x48xi32, #tpu.memory_space<vmem>> -> memref<48xi32, #tpu.memory_space<vmem>>
      %dma_wait3A_281 = arith.constant 0 : i32
      %dma_wait3A_282 = arith.constant 0 : i32
      %dma_wait3A_283 = tpu.memref_slice %arg4[%dma_wait3A_281, %dma_wait3A_282] : memref<1000000x64xf32, #tpu.memory_space<hbm>> -> memref<1000000x64xf32, #tpu.memory_space<hbm>>
      tpu.wait_indirect_dma semaphore(%arg10 : memref<!tpu.dma_semaphore, #tpu.memory_space<semaphore_mem>>) src(%dma_wait3A_283 : memref<1000000x64xf32, #tpu.memory_space<hbm>>) dst(%dma_wait3A_277 : memref<48x64xf32, #tpu.memory_space<vmem>>)
      %dma_wait3A_284 = arith.constant 1 : i32
      %dma_wait3A_285 = arith.constant 144 : i32
      %dma_wait3A_286 = arith.constant 0 : i32
      %dma_wait3A_287 = tpu.memref_slice %arg7[%dma_wait3A_284, %dma_wait3A_285, %dma_wait3A_286] : memref<4x200x64xf32, #tpu.memory_space<vmem>> -> memref<1x56x64xf32, #tpu.memory_space<vmem>>
      %dma_wait3A_288 = tpu.memref_squeeze %dma_wait3A_287 : memref<1x56x64xf32, #tpu.memory_space<vmem>> -> memref<56x64xf32, #tpu.memory_space<vmem>>
      %dma_wait3A_289 = arith.constant 144 : i32
      %dma_wait3A_290 = tpu.memref_slice %arg6[%add3A_250, %dma_wait3A_289] : memref<256x200xi32, #tpu.memory_space<vmem>> -> memref<1x56xi32, #tpu.memory_space<vmem>>
      %dma_wait3A_291 = tpu.memref_squeeze %dma_wait3A_290 : memref<1x56xi32, #tpu.memory_space<vmem>> -> memref<56xi32, #tpu.memory_space<vmem>>
      %dma_wait3A_292 = arith.constant 0 : i32
      %dma_wait3A_293 = arith.constant 0 : i32
      %dma_wait3A_294 = tpu.memref_slice %arg4[%dma_wait3A_292, %dma_wait3A_293] : memref<1000000x64xf32, #tpu.memory_space<hbm>> -> memref<1000000x64xf32, #tpu.memory_space<hbm>>
      tpu.wait_indirect_dma semaphore(%arg10 : memref<!tpu.dma_semaphore, #tpu.memory_space<semaphore_mem>>) src(%dma_wait3A_294 : memref<1000000x64xf32, #tpu.memory_space<hbm>>) dst(%dma_wait3A_288 : memref<56x64xf32, #tpu.memory_space<vmem>>)
      %add3A_295 = arith.constant 3 : i32
      %add3A_296 = arith.addi %add3A_250, %add3A_295 : i32
      %lt3A_297 = arith.constant 256 : i32
      %lt3A_298 = arith.cmpi slt, %add3A_296, %lt3A_297 : i32
      %convert_element_type3A_299 = arith.extui %lt3A_298 : i1 to i32
      %cond3A_300 = arith.constant 0 : i32
      %cond3A_301 = arith.cmpi ne, %convert_element_type3A_299, %cond3A_300 : i32
      scf.if %cond3A_301 {
        %dma_start3A_519 = arith.constant 0 : i32
        %dma_start3A_520 = arith.constant 0 : i32
        %dma_start3A_521 = arith.constant 0 : i32
        %dma_start3A_522 = tpu.memref_slice %arg7[%dma_start3A_519, %dma_start3A_520, %dma_start3A_521] : memref<4x200x64xf32, #tpu.memory_space<vmem>> -> memref<1x48x64xf32, #tpu.memory_space<vmem>>
        %dma_start3A_523 = tpu.memref_squeeze %dma_start3A_522 : memref<1x48x64xf32, #tpu.memory_space<vmem>> -> memref<48x64xf32, #tpu.memory_space<vmem>>
        %dma_start3A_524 = arith.constant 0 : i32
        %dma_start3A_525 = tpu.memref_slice %arg6[%add3A_296, %dma_start3A_524] : memref<256x200xi32, #tpu.memory_space<vmem>> -> memref<1x48xi32, #tpu.memory_space<vmem>>
        %dma_start3A_526 = tpu.memref_squeeze %dma_start3A_525 : memref<1x48xi32, #tpu.memory_space<vmem>> -> memref<48xi32, #tpu.memory_space<vmem>>
        %dma_start3A_527 = arith.constant 0 : i32
        %dma_start3A_528 = arith.constant 0 : i32
        %dma_start3A_529 = tpu.memref_slice %arg4[%dma_start3A_527, %dma_start3A_528] : memref<1000000x64xf32, #tpu.memory_space<hbm>> -> memref<1000000x64xf32, #tpu.memory_space<hbm>>
        tpu.enqueue_indirect_dma source(%dma_start3A_529 : memref<1000000x64xf32, #tpu.memory_space<hbm>>) target(%dma_start3A_523 : memref<48x64xf32, #tpu.memory_space<vmem>>) offsets(%dma_start3A_526 : memref<48xi32, #tpu.memory_space<vmem>>) semaphore(%arg9 : memref<!tpu.dma_semaphore, #tpu.memory_space<semaphore_mem>>)
        %dma_start3A_530 = arith.constant 0 : i32
        %dma_start3A_531 = arith.constant 48 : i32
        %dma_start3A_532 = arith.constant 0 : i32
        %dma_start3A_533 = tpu.memref_slice %arg7[%dma_start3A_530, %dma_start3A_531, %dma_start3A_532] : memref<4x200x64xf32, #tpu.memory_space<vmem>> -> memref<1x48x64xf32, #tpu.memory_space<vmem>>
        %dma_start3A_534 = tpu.memref_squeeze %dma_start3A_533 : memref<1x48x64xf32, #tpu.memory_space<vmem>> -> memref<48x64xf32, #tpu.memory_space<vmem>>
        %dma_start3A_535 = arith.constant 48 : i32
        %dma_start3A_536 = tpu.memref_slice %arg6[%add3A_296, %dma_start3A_535] : memref<256x200xi32, #tpu.memory_space<vmem>> -> memref<1x48xi32, #tpu.memory_space<vmem>>
        %dma_start3A_537 = tpu.memref_squeeze %dma_start3A_536 : memref<1x48xi32, #tpu.memory_space<vmem>> -> memref<48xi32, #tpu.memory_space<vmem>>
        %dma_start3A_538 = arith.constant 0 : i32
        %dma_start3A_539 = arith.constant 0 : i32
        %dma_start3A_540 = tpu.memref_slice %arg4[%dma_start3A_538, %dma_start3A_539] : memref<1000000x64xf32, #tpu.memory_space<hbm>> -> memref<1000000x64xf32, #tpu.memory_space<hbm>>
        tpu.enqueue_indirect_dma source(%dma_start3A_540 : memref<1000000x64xf32, #tpu.memory_space<hbm>>) target(%dma_start3A_534 : memref<48x64xf32, #tpu.memory_space<vmem>>) offsets(%dma_start3A_537 : memref<48xi32, #tpu.memory_space<vmem>>) semaphore(%arg9 : memref<!tpu.dma_semaphore, #tpu.memory_space<semaphore_mem>>)
        %dma_start3A_541 = arith.constant 0 : i32
        %dma_start3A_542 = arith.constant 96 : i32
        %dma_start3A_543 = arith.constant 0 : i32
        %dma_start3A_544 = tpu.memref_slice %arg7[%dma_start3A_541, %dma_start3A_542, %dma_start3A_543] : memref<4x200x64xf32, #tpu.memory_space<vmem>> -> memref<1x48x64xf32, #tpu.memory_space<vmem>>
        %dma_start3A_545 = tpu.memref_squeeze %dma_start3A_544 : memref<1x48x64xf32, #tpu.memory_space<vmem>> -> memref<48x64xf32, #tpu.memory_space<vmem>>
        %dma_start3A_546 = arith.constant 96 : i32
        %dma_start3A_547 = tpu.memref_slice %arg6[%add3A_296, %dma_start3A_546] : memref<256x200xi32, #tpu.memory_space<vmem>> -> memref<1x48xi32, #tpu.memory_space<vmem>>
        %dma_start3A_548 = tpu.memref_squeeze %dma_start3A_547 : memref<1x48xi32, #tpu.memory_space<vmem>> -> memref<48xi32, #tpu.memory_space<vmem>>
        %dma_start3A_549 = arith.constant 0 : i32
        %dma_start3A_550 = arith.constant 0 : i32
        %dma_start3A_551 = tpu.memref_slice %arg4[%dma_start3A_549, %dma_start3A_550] : memref<1000000x64xf32, #tpu.memory_space<hbm>> -> memref<1000000x64xf32, #tpu.memory_space<hbm>>
        tpu.enqueue_indirect_dma source(%dma_start3A_551 : memref<1000000x64xf32, #tpu.memory_space<hbm>>) target(%dma_start3A_545 : memref<48x64xf32, #tpu.memory_space<vmem>>) offsets(%dma_start3A_548 : memref<48xi32, #tpu.memory_space<vmem>>) semaphore(%arg9 : memref<!tpu.dma_semaphore, #tpu.memory_space<semaphore_mem>>)
        %dma_start3A_552 = arith.constant 0 : i32
        %dma_start3A_553 = arith.constant 144 : i32
        %dma_start3A_554 = arith.constant 0 : i32
        %dma_start3A_555 = tpu.memref_slice %arg7[%dma_start3A_552, %dma_start3A_553, %dma_start3A_554] : memref<4x200x64xf32, #tpu.memory_space<vmem>> -> memref<1x56x64xf32, #tpu.memory_space<vmem>>
        %dma_start3A_556 = tpu.memref_squeeze %dma_start3A_555 : memref<1x56x64xf32, #tpu.memory_space<vmem>> -> memref<56x64xf32, #tpu.memory_space<vmem>>
        %dma_start3A_557 = arith.constant 144 : i32
        %dma_start3A_558 = tpu.memref_slice %arg6[%add3A_296, %dma_start3A_557] : memref<256x200xi32, #tpu.memory_space<vmem>> -> memref<1x56xi32, #tpu.memory_space<vmem>>
        %dma_start3A_559 = tpu.memref_squeeze %dma_start3A_558 : memref<1x56xi32, #tpu.memory_space<vmem>> -> memref<56xi32, #tpu.memory_space<vmem>>
        %dma_start3A_560 = arith.constant 0 : i32
        %dma_start3A_561 = arith.constant 0 : i32
        %dma_start3A_562 = tpu.memref_slice %arg4[%dma_start3A_560, %dma_start3A_561] : memref<1000000x64xf32, #tpu.memory_space<hbm>> -> memref<1000000x64xf32, #tpu.memory_space<hbm>>
        tpu.enqueue_indirect_dma source(%dma_start3A_562 : memref<1000000x64xf32, #tpu.memory_space<hbm>>) target(%dma_start3A_556 : memref<56x64xf32, #tpu.memory_space<vmem>>) offsets(%dma_start3A_559 : memref<56xi32, #tpu.memory_space<vmem>>) semaphore(%arg9 : memref<!tpu.dma_semaphore, #tpu.memory_space<semaphore_mem>>)
      } else {
      }
      %broadcast_in_dim3A_302 = arith.constant 0.000000e+00 : f32
      %broadcast_in_dim3A_303 = vector.broadcast %broadcast_in_dim3A_302 : f32 to vector<16xf32>
      %scan3A_304 = arith.constant 1 : i32
      %scan3A_305 = arith.constant 0 : i32
      %scan3A_306 = arith.constant 50 : i32
      %scan3A_307 = arith.addi %scan3A_305, %scan3A_306 : i32
      %scan3A_308 = arith.constant 1 : i32
      %scan3A_309:4 = scf.for %scan3A_519 = %scan3A_305 to %scan3A_307 step %scan3A_308 iter_args(%scan3A_520 = %broadcast_in_dim3A_303, %scan3A_521 = %broadcast_in_dim3A_303, %scan3A_522 = %broadcast_in_dim3A_303, %scan3A_523 = %broadcast_in_dim3A_303) -> (vector<16xf32>, vector<16xf32>, vector<16xf32>, vector<16xf32>)  : i32 {
        %mul3A_524 = arith.constant 4 : i32
        %mul3A_525 = arith.muli %scan3A_519, %mul3A_524 : i32
        %add3A_526 = arith.constant 0 : i32
        %add3A_527 = arith.addi %mul3A_525, %add3A_526 : i32
        %get3A = arith.constant 0 : i32
        %get3A_528 = arith.constant 0 : i32
        %get3A_529 = tpu.memref_slice %arg7[%scan3A_304, %get3A, %get3A_528] : memref<4x200x64xf32, #tpu.memory_space<vmem>> -> memref<1x200x64xf32, #tpu.memory_space<vmem>>
        %get3A_530 = tpu.memref_squeeze %get3A_529 : memref<1x200x64xf32, #tpu.memory_space<vmem>> -> memref<200x64xf32, #tpu.memory_space<vmem>>
        %get3A_531 = arith.index_cast %add3A_527 : i32 to index
        %get3A_532 = arith.constant 0 : index
        %get3A_533 = tpu.vector_load %get3A_530[%get3A_531, %get3A_532] {strides = array<i32>} : memref<200x64xf32, #tpu.memory_space<vmem>>, vector<1x16xf32>,
        %get3A_534 = vector.shape_cast %get3A_533 : vector<1x16xf32> to vector<16xf32>
        %add3A_535 = arith.addf %scan3A_520, %get3A_534 : vector<16xf32>
        %get3A_536 = arith.constant 0 : i32
        %get3A_537 = arith.constant 0 : i32
        %get3A_538 = tpu.memref_slice %arg7[%scan3A_304, %get3A_536, %get3A_537] : memref<4x200x64xf32, #tpu.memory_space<vmem>> -> memref<1x200x64xf32, #tpu.memory_space<vmem>>
        %get3A_539 = tpu.memref_squeeze %get3A_538 : memref<1x200x64xf32, #tpu.memory_space<vmem>> -> memref<200x64xf32, #tpu.memory_space<vmem>>
        %get3A_540 = arith.index_cast %add3A_527 : i32 to index
        %get3A_541 = arith.constant 16 : index
        %get3A_542 = tpu.vector_load %get3A_539[%get3A_540, %get3A_541] {strides = array<i32>} : memref<200x64xf32, #tpu.memory_space<vmem>>, vector<1x16xf32>,
        %get3A_543 = vector.shape_cast %get3A_542 : vector<1x16xf32> to vector<16xf32>
        %add3A_544 = arith.addf %scan3A_521, %get3A_543 : vector<16xf32>
        %get3A_545 = arith.constant 0 : i32
        %get3A_546 = arith.constant 0 : i32
        %get3A_547 = tpu.memref_slice %arg7[%scan3A_304, %get3A_545, %get3A_546] : memref<4x200x64xf32, #tpu.memory_space<vmem>> -> memref<1x200x64xf32, #tpu.memory_space<vmem>>
        %get3A_548 = tpu.memref_squeeze %get3A_547 : memref<1x200x64xf32, #tpu.memory_space<vmem>> -> memref<200x64xf32, #tpu.memory_space<vmem>>
        %get3A_549 = arith.index_cast %add3A_527 : i32 to index
        %get3A_550 = arith.constant 32 : index
        %get3A_551 = tpu.vector_load %get3A_548[%get3A_549, %get3A_550] {strides = array<i32>} : memref<200x64xf32, #tpu.memory_space<vmem>>, vector<1x16xf32>,
        %get3A_552 = vector.shape_cast %get3A_551 : vector<1x16xf32> to vector<16xf32>
        %add3A_553 = arith.addf %scan3A_522, %get3A_552 : vector<16xf32>
        %get3A_554 = arith.constant 0 : i32
        %get3A_555 = arith.constant 0 : i32
        %get3A_556 = tpu.memref_slice %arg7[%scan3A_304, %get3A_554, %get3A_555] : memref<4x200x64xf32, #tpu.memory_space<vmem>> -> memref<1x200x64xf32, #tpu.memory_space<vmem>>
        %get3A_557 = tpu.memref_squeeze %get3A_556 : memref<1x200x64xf32, #tpu.memory_space<vmem>> -> memref<200x64xf32, #tpu.memory_space<vmem>>
        %get3A_558 = arith.index_cast %add3A_527 : i32 to index
        %get3A_559 = arith.constant 48 : index
        %get3A_560 = tpu.vector_load %get3A_557[%get3A_558, %get3A_559] {strides = array<i32>} : memref<200x64xf32, #tpu.memory_space<vmem>>, vector<1x16xf32>,
        %get3A_561 = vector.shape_cast %get3A_560 : vector<1x16xf32> to vector<16xf32>
        %add3A_562 = arith.addf %scan3A_523, %get3A_561 : vector<16xf32>
        %mul3A_563 = arith.constant 4 : i32
        %mul3A_564 = arith.muli %scan3A_519, %mul3A_563 : i32
        %add3A_565 = arith.constant 1 : i32
        %add3A_566 = arith.addi %mul3A_564, %add3A_565 : i32
        %get3A_567 = arith.constant 0 : i32
        %get3A_568 = arith.constant 0 : i32
        %get3A_569 = tpu.memref_slice %arg7[%scan3A_304, %get3A_567, %get3A_568] : memref<4x200x64xf32, #tpu.memory_space<vmem>> -> memref<1x200x64xf32, #tpu.memory_space<vmem>>
        %get3A_570 = tpu.memref_squeeze %get3A_569 : memref<1x200x64xf32, #tpu.memory_space<vmem>> -> memref<200x64xf32, #tpu.memory_space<vmem>>
        %get3A_571 = arith.index_cast %add3A_566 : i32 to index
        %get3A_572 = arith.constant 0 : index
        %get3A_573 = tpu.vector_load %get3A_570[%get3A_571, %get3A_572] {strides = array<i32>} : memref<200x64xf32, #tpu.memory_space<vmem>>, vector<1x16xf32>,
        %get3A_574 = vector.shape_cast %get3A_573 : vector<1x16xf32> to vector<16xf32>
        %add3A_575 = arith.addf %add3A_535, %get3A_574 : vector<16xf32>
        %get3A_576 = arith.constant 0 : i32
        %get3A_577 = arith.constant 0 : i32
        %get3A_578 = tpu.memref_slice %arg7[%scan3A_304, %get3A_576, %get3A_577] : memref<4x200x64xf32, #tpu.memory_space<vmem>> -> memref<1x200x64xf32, #tpu.memory_space<vmem>>
        %get3A_579 = tpu.memref_squeeze %get3A_578 : memref<1x200x64xf32, #tpu.memory_space<vmem>> -> memref<200x64xf32, #tpu.memory_space<vmem>>
        %get3A_580 = arith.index_cast %add3A_566 : i32 to index
        %get3A_581 = arith.constant 16 : index
        %get3A_582 = tpu.vector_load %get3A_579[%get3A_580, %get3A_581] {strides = array<i32>} : memref<200x64xf32, #tpu.memory_space<vmem>>, vector<1x16xf32>,
        %get3A_583 = vector.shape_cast %get3A_582 : vector<1x16xf32> to vector<16xf32>
        %add3A_584 = arith.addf %add3A_544, %get3A_583 : vector<16xf32>
        %get3A_585 = arith.constant 0 : i32
        %get3A_586 = arith.constant 0 : i32
        %get3A_587 = tpu.memref_slice %arg7[%scan3A_304, %get3A_585, %get3A_586] : memref<4x200x64xf32, #tpu.memory_space<vmem>> -> memref<1x200x64xf32, #tpu.memory_space<vmem>>
        %get3A_588 = tpu.memref_squeeze %get3A_587 : memref<1x200x64xf32, #tpu.memory_space<vmem>> -> memref<200x64xf32, #tpu.memory_space<vmem>>
        %get3A_589 = arith.index_cast %add3A_566 : i32 to index
        %get3A_590 = arith.constant 32 : index
        %get3A_591 = tpu.vector_load %get3A_588[%get3A_589, %get3A_590] {strides = array<i32>} : memref<200x64xf32, #tpu.memory_space<vmem>>, vector<1x16xf32>,
        %get3A_592 = vector.shape_cast %get3A_591 : vector<1x16xf32> to vector<16xf32>
        %add3A_593 = arith.addf %add3A_553, %get3A_592 : vector<16xf32>
        %get3A_594 = arith.constant 0 : i32
        %get3A_595 = arith.constant 0 : i32
        %get3A_596 = tpu.memref_slice %arg7[%scan3A_304, %get3A_594, %get3A_595] : memref<4x200x64xf32, #tpu.memory_space<vmem>> -> memref<1x200x64xf32, #tpu.memory_space<vmem>>
        %get3A_597 = tpu.memref_squeeze %get3A_596 : memref<1x200x64xf32, #tpu.memory_space<vmem>> -> memref<200x64xf32, #tpu.memory_space<vmem>>
        %get3A_598 = arith.index_cast %add3A_566 : i32 to index
        %get3A_599 = arith.constant 48 : index
        %get3A_600 = tpu.vector_load %get3A_597[%get3A_598, %get3A_599] {strides = array<i32>} : memref<200x64xf32, #tpu.memory_space<vmem>>, vector<1x16xf32>,
        %get3A_601 = vector.shape_cast %get3A_600 : vector<1x16xf32> to vector<16xf32>
        %add3A_602 = arith.addf %add3A_562, %get3A_601 : vector<16xf32>
        %mul3A_603 = arith.constant 4 : i32
        %mul3A_604 = arith.muli %scan3A_519, %mul3A_603 : i32
        %add3A_605 = arith.constant 2 : i32
        %add3A_606 = arith.addi %mul3A_604, %add3A_605 : i32
        %get3A_607 = arith.constant 0 : i32
        %get3A_608 = arith.constant 0 : i32
        %get3A_609 = tpu.memref_slice %arg7[%scan3A_304, %get3A_607, %get3A_608] : memref<4x200x64xf32, #tpu.memory_space<vmem>> -> memref<1x200x64xf32, #tpu.memory_space<vmem>>
        %get3A_610 = tpu.memref_squeeze %get3A_609 : memref<1x200x64xf32, #tpu.memory_space<vmem>> -> memref<200x64xf32, #tpu.memory_space<vmem>>
        %get3A_611 = arith.index_cast %add3A_606 : i32 to index
        %get3A_612 = arith.constant 0 : index
        %get3A_613 = tpu.vector_load %get3A_610[%get3A_611, %get3A_612] {strides = array<i32>} : memref<200x64xf32, #tpu.memory_space<vmem>>, vector<1x16xf32>,
        %get3A_614 = vector.shape_cast %get3A_613 : vector<1x16xf32> to vector<16xf32>
        %add3A_615 = arith.addf %add3A_575, %get3A_614 : vector<16xf32>
        %get3A_616 = arith.constant 0 : i32
        %get3A_617 = arith.constant 0 : i32
        %get3A_618 = tpu.memref_slice %arg7[%scan3A_304, %get3A_616, %get3A_617] : memref<4x200x64xf32, #tpu.memory_space<vmem>> -> memref<1x200x64xf32, #tpu.memory_space<vmem>>
        %get3A_619 = tpu.memref_squeeze %get3A_618 : memref<1x200x64xf32, #tpu.memory_space<vmem>> -> memref<200x64xf32, #tpu.memory_space<vmem>>
        %get3A_620 = arith.index_cast %add3A_606 : i32 to index
        %get3A_621 = arith.constant 16 : index
        %get3A_622 = tpu.vector_load %get3A_619[%get3A_620, %get3A_621] {strides = array<i32>} : memref<200x64xf32, #tpu.memory_space<vmem>>, vector<1x16xf32>,
        %get3A_623 = vector.shape_cast %get3A_622 : vector<1x16xf32> to vector<16xf32>
        %add3A_624 = arith.addf %add3A_584, %get3A_623 : vector<16xf32>
        %get3A_625 = arith.constant 0 : i32
        %get3A_626 = arith.constant 0 : i32
        %get3A_627 = tpu.memref_slice %arg7[%scan3A_304, %get3A_625, %get3A_626] : memref<4x200x64xf32, #tpu.memory_space<vmem>> -> memref<1x200x64xf32, #tpu.memory_space<vmem>>
        %get3A_628 = tpu.memref_squeeze %get3A_627 : memref<1x200x64xf32, #tpu.memory_space<vmem>> -> memref<200x64xf32, #tpu.memory_space<vmem>>
        %get3A_629 = arith.index_cast %add3A_606 : i32 to index
        %get3A_630 = arith.constant 32 : index
        %get3A_631 = tpu.vector_load %get3A_628[%get3A_629, %get3A_630] {strides = array<i32>} : memref<200x64xf32, #tpu.memory_space<vmem>>, vector<1x16xf32>,
        %get3A_632 = vector.shape_cast %get3A_631 : vector<1x16xf32> to vector<16xf32>
        %add3A_633 = arith.addf %add3A_593, %get3A_632 : vector<16xf32>
        %get3A_634 = arith.constant 0 : i32
        %get3A_635 = arith.constant 0 : i32
        %get3A_636 = tpu.memref_slice %arg7[%scan3A_304, %get3A_634, %get3A_635] : memref<4x200x64xf32, #tpu.memory_space<vmem>> -> memref<1x200x64xf32, #tpu.memory_space<vmem>>
        %get3A_637 = tpu.memref_squeeze %get3A_636 : memref<1x200x64xf32, #tpu.memory_space<vmem>> -> memref<200x64xf32, #tpu.memory_space<vmem>>
        %get3A_638 = arith.index_cast %add3A_606 : i32 to index
        %get3A_639 = arith.constant 48 : index
        %get3A_640 = tpu.vector_load %get3A_637[%get3A_638, %get3A_639] {strides = array<i32>} : memref<200x64xf32, #tpu.memory_space<vmem>>, vector<1x16xf32>,
        %get3A_641 = vector.shape_cast %get3A_640 : vector<1x16xf32> to vector<16xf32>
        %add3A_642 = arith.addf %add3A_602, %get3A_641 : vector<16xf32>
        %mul3A_643 = arith.constant 4 : i32
        %mul3A_644 = arith.muli %scan3A_519, %mul3A_643 : i32
        %add3A_645 = arith.constant 3 : i32
        %add3A_646 = arith.addi %mul3A_644, %add3A_645 : i32
        %get3A_647 = arith.constant 0 : i32
        %get3A_648 = arith.constant 0 : i32
        %get3A_649 = tpu.memref_slice %arg7[%scan3A_304, %get3A_647, %get3A_648] : memref<4x200x64xf32, #tpu.memory_space<vmem>> -> memref<1x200x64xf32, #tpu.memory_space<vmem>>
        %get3A_650 = tpu.memref_squeeze %get3A_649 : memref<1x200x64xf32, #tpu.memory_space<vmem>> -> memref<200x64xf32, #tpu.memory_space<vmem>>
        %get3A_651 = arith.index_cast %add3A_646 : i32 to index
        %get3A_652 = arith.constant 0 : index
        %get3A_653 = tpu.vector_load %get3A_650[%get3A_651, %get3A_652] {strides = array<i32>} : memref<200x64xf32, #tpu.memory_space<vmem>>, vector<1x16xf32>,
        %get3A_654 = vector.shape_cast %get3A_653 : vector<1x16xf32> to vector<16xf32>
        %add3A_655 = arith.addf %add3A_615, %get3A_654 : vector<16xf32>
        %get3A_656 = arith.constant 0 : i32
        %get3A_657 = arith.constant 0 : i32
        %get3A_658 = tpu.memref_slice %arg7[%scan3A_304, %get3A_656, %get3A_657] : memref<4x200x64xf32, #tpu.memory_space<vmem>> -> memref<1x200x64xf32, #tpu.memory_space<vmem>>
        %get3A_659 = tpu.memref_squeeze %get3A_658 : memref<1x200x64xf32, #tpu.memory_space<vmem>> -> memref<200x64xf32, #tpu.memory_space<vmem>>
        %get3A_660 = arith.index_cast %add3A_646 : i32 to index
        %get3A_661 = arith.constant 16 : index
        %get3A_662 = tpu.vector_load %get3A_659[%get3A_660, %get3A_661] {strides = array<i32>} : memref<200x64xf32, #tpu.memory_space<vmem>>, vector<1x16xf32>,
        %get3A_663 = vector.shape_cast %get3A_662 : vector<1x16xf32> to vector<16xf32>
        %add3A_664 = arith.addf %add3A_624, %get3A_663 : vector<16xf32>
        %get3A_665 = arith.constant 0 : i32
        %get3A_666 = arith.constant 0 : i32
        %get3A_667 = tpu.memref_slice %arg7[%scan3A_304, %get3A_665, %get3A_666] : memref<4x200x64xf32, #tpu.memory_space<vmem>> -> memref<1x200x64xf32, #tpu.memory_space<vmem>>
        %get3A_668 = tpu.memref_squeeze %get3A_667 : memref<1x200x64xf32, #tpu.memory_space<vmem>> -> memref<200x64xf32, #tpu.memory_space<vmem>>
        %get3A_669 = arith.index_cast %add3A_646 : i32 to index
        %get3A_670 = arith.constant 32 : index
        %get3A_671 = tpu.vector_load %get3A_668[%get3A_669, %get3A_670] {strides = array<i32>} : memref<200x64xf32, #tpu.memory_space<vmem>>, vector<1x16xf32>,
        %get3A_672 = vector.shape_cast %get3A_671 : vector<1x16xf32> to vector<16xf32>
        %add3A_673 = arith.addf %add3A_633, %get3A_672 : vector<16xf32>
        %get3A_674 = arith.constant 0 : i32
        %get3A_675 = arith.constant 0 : i32
        %get3A_676 = tpu.memref_slice %arg7[%scan3A_304, %get3A_674, %get3A_675] : memref<4x200x64xf32, #tpu.memory_space<vmem>> -> memref<1x200x64xf32, #tpu.memory_space<vmem>>
        %get3A_677 = tpu.memref_squeeze %get3A_676 : memref<1x200x64xf32, #tpu.memory_space<vmem>> -> memref<200x64xf32, #tpu.memory_space<vmem>>
        %get3A_678 = arith.index_cast %add3A_646 : i32 to index
        %get3A_679 = arith.constant 48 : index
        %get3A_680 = tpu.vector_load %get3A_677[%get3A_678, %get3A_679] {strides = array<i32>} : memref<200x64xf32, #tpu.memory_space<vmem>>, vector<1x16xf32>,
        %get3A_681 = vector.shape_cast %get3A_680 : vector<1x16xf32> to vector<16xf32>
        %add3A_682 = arith.addf %add3A_642, %get3A_681 : vector<16xf32>
        scf.yield %add3A_655, %add3A_664, %add3A_673, %add3A_682 : vector<16xf32>, vector<16xf32>, vector<16xf32>, vector<16xf32>
      }
      %scan3A_310 = arith.constant 50 : i32
      %mul3A_311 = vector.broadcast %scan3A : f32 to vector<16xf32>
      %mul3A_312 = arith.mulf %scan3A_309#0, %mul3A_311 : vector<16xf32>
      %swap3A_313 = arith.index_cast %add3A_250 : i32 to index
      %swap3A_314 = arith.constant 0 : index
      %swap3A_315 = tpu.vector_load %arg8[%swap3A_313, %swap3A_314] {strides = array<i32>} : memref<256x64xf32, #tpu.memory_space<vmem>>, vector<1x16xf32>,
      %swap3A_316 = vector.shape_cast %swap3A_315 : vector<1x16xf32> to vector<16xf32>
      %swap3A_317 = vector.shape_cast %mul3A_312 : vector<16xf32> to vector<1x16xf32>
      tpu.vector_store %arg8[%swap3A_313, %swap3A_314], %swap3A_317 {strides = array<i32>} : memref<256x64xf32, #tpu.memory_space<vmem>>, vector<1x16xf32>,
      %mul3A_318 = vector.broadcast %scan3A : f32 to vector<16xf32>
      %mul3A_319 = arith.mulf %scan3A_309#1, %mul3A_318 : vector<16xf32>
      %swap3A_320 = arith.index_cast %add3A_250 : i32 to index
      %swap3A_321 = arith.constant 16 : index
      %swap3A_322 = tpu.vector_load %arg8[%swap3A_320, %swap3A_321] {strides = array<i32>} : memref<256x64xf32, #tpu.memory_space<vmem>>, vector<1x16xf32>,
      %swap3A_323 = vector.shape_cast %swap3A_322 : vector<1x16xf32> to vector<16xf32>
      %swap3A_324 = vector.shape_cast %mul3A_319 : vector<16xf32> to vector<1x16xf32>
      tpu.vector_store %arg8[%swap3A_320, %swap3A_321], %swap3A_324 {strides = array<i32>} : memref<256x64xf32, #tpu.memory_space<vmem>>, vector<1x16xf32>,
      %mul3A_325 = vector.broadcast %scan3A : f32 to vector<16xf32>
      %mul3A_326 = arith.mulf %scan3A_309#2, %mul3A_325 : vector<16xf32>
      %swap3A_327 = arith.index_cast %add3A_250 : i32 to index
      %swap3A_328 = arith.constant 32 : index
      %swap3A_329 = tpu.vector_load %arg8[%swap3A_327, %swap3A_328] {strides = array<i32>} : memref<256x64xf32, #tpu.memory_space<vmem>>, vector<1x16xf32>,
      %swap3A_330 = vector.shape_cast %swap3A_329 : vector<1x16xf32> to vector<16xf32>
      %swap3A_331 = vector.shape_cast %mul3A_326 : vector<16xf32> to vector<1x16xf32>
      tpu.vector_store %arg8[%swap3A_327, %swap3A_328], %swap3A_331 {strides = array<i32>} : memref<256x64xf32, #tpu.memory_space<vmem>>, vector<1x16xf32>,
      %mul3A_332 = vector.broadcast %scan3A : f32 to vector<16xf32>
      %mul3A_333 = arith.mulf %scan3A_309#3, %mul3A_332 : vector<16xf32>
      %swap3A_334 = arith.index_cast %add3A_250 : i32 to index
      %swap3A_335 = arith.constant 48 : index
      %swap3A_336 = tpu.vector_load %arg8[%swap3A_334, %swap3A_335] {strides = array<i32>} : memref<256x64xf32, #tpu.memory_space<vmem>>, vector<1x16xf32>,
      %swap3A_337 = vector.shape_cast %swap3A_336 : vector<1x16xf32> to vector<16xf32>
      %swap3A_338 = vector.shape_cast %mul3A_333 : vector<16xf32> to vector<1x16xf32>
      tpu.vector_store %arg8[%swap3A_334, %swap3A_335], %swap3A_338 {strides = array<i32>} : memref<256x64xf32, #tpu.memory_space<vmem>>, vector<1x16xf32>,
      %add3A_339 = arith.constant 2 : i32
      %add3A_340 = arith.addi %add3A_161, %add3A_339 : i32
      %dma_wait3A_341 = arith.constant 2 : i32
      %dma_wait3A_342 = arith.constant 0 : i32
      %dma_wait3A_343 = arith.constant 0 : i32
      %dma_wait3A_344 = tpu.memref_slice %arg7[%dma_wait3A_341, %dma_wait3A_342, %dma_wait3A_343] : memref<4x200x64xf32, #tpu.memory_space<vmem>> -> memref<1x48x64xf32, #tpu.memory_space<vmem>>
      %dma_wait3A_345 = tpu.memref_squeeze %dma_wait3A_344 : memref<1x48x64xf32, #tpu.memory_space<vmem>> -> memref<48x64xf32, #tpu.memory_space<vmem>>
      %dma_wait3A_346 = arith.constant 0 : i32
      %dma_wait3A_347 = tpu.memref_slice %arg6[%add3A_340, %dma_wait3A_346] : memref<256x200xi32, #tpu.memory_space<vmem>> -> memref<1x48xi32, #tpu.memory_space<vmem>>
      %dma_wait3A_348 = tpu.memref_squeeze %dma_wait3A_347 : memref<1x48xi32, #tpu.memory_space<vmem>> -> memref<48xi32, #tpu.memory_space<vmem>>
      %dma_wait3A_349 = arith.constant 0 : i32
      %dma_wait3A_350 = arith.constant 0 : i32
      %dma_wait3A_351 = tpu.memref_slice %arg4[%dma_wait3A_349, %dma_wait3A_350] : memref<1000000x64xf32, #tpu.memory_space<hbm>> -> memref<1000000x64xf32, #tpu.memory_space<hbm>>
      tpu.wait_indirect_dma semaphore(%arg11 : memref<!tpu.dma_semaphore, #tpu.memory_space<semaphore_mem>>) src(%dma_wait3A_351 : memref<1000000x64xf32, #tpu.memory_space<hbm>>) dst(%dma_wait3A_345 : memref<48x64xf32, #tpu.memory_space<vmem>>)
      %dma_wait3A_352 = arith.constant 2 : i32
      %dma_wait3A_353 = arith.constant 48 : i32
      %dma_wait3A_354 = arith.constant 0 : i32
      %dma_wait3A_355 = tpu.memref_slice %arg7[%dma_wait3A_352, %dma_wait3A_353, %dma_wait3A_354] : memref<4x200x64xf32, #tpu.memory_space<vmem>> -> memref<1x48x64xf32, #tpu.memory_space<vmem>>
      %dma_wait3A_356 = tpu.memref_squeeze %dma_wait3A_355 : memref<1x48x64xf32, #tpu.memory_space<vmem>> -> memref<48x64xf32, #tpu.memory_space<vmem>>
      %dma_wait3A_357 = arith.constant 48 : i32
      %dma_wait3A_358 = tpu.memref_slice %arg6[%add3A_340, %dma_wait3A_357] : memref<256x200xi32, #tpu.memory_space<vmem>> -> memref<1x48xi32, #tpu.memory_space<vmem>>
      %dma_wait3A_359 = tpu.memref_squeeze %dma_wait3A_358 : memref<1x48xi32, #tpu.memory_space<vmem>> -> memref<48xi32, #tpu.memory_space<vmem>>
      %dma_wait3A_360 = arith.constant 0 : i32
      %dma_wait3A_361 = arith.constant 0 : i32
      %dma_wait3A_362 = tpu.memref_slice %arg4[%dma_wait3A_360, %dma_wait3A_361] : memref<1000000x64xf32, #tpu.memory_space<hbm>> -> memref<1000000x64xf32, #tpu.memory_space<hbm>>
      tpu.wait_indirect_dma semaphore(%arg11 : memref<!tpu.dma_semaphore, #tpu.memory_space<semaphore_mem>>) src(%dma_wait3A_362 : memref<1000000x64xf32, #tpu.memory_space<hbm>>) dst(%dma_wait3A_356 : memref<48x64xf32, #tpu.memory_space<vmem>>)
      %dma_wait3A_363 = arith.constant 2 : i32
      %dma_wait3A_364 = arith.constant 96 : i32
      %dma_wait3A_365 = arith.constant 0 : i32
      %dma_wait3A_366 = tpu.memref_slice %arg7[%dma_wait3A_363, %dma_wait3A_364, %dma_wait3A_365] : memref<4x200x64xf32, #tpu.memory_space<vmem>> -> memref<1x48x64xf32, #tpu.memory_space<vmem>>
      %dma_wait3A_367 = tpu.memref_squeeze %dma_wait3A_366 : memref<1x48x64xf32, #tpu.memory_space<vmem>> -> memref<48x64xf32, #tpu.memory_space<vmem>>
      %dma_wait3A_368 = arith.constant 96 : i32
      %dma_wait3A_369 = tpu.memref_slice %arg6[%add3A_340, %dma_wait3A_368] : memref<256x200xi32, #tpu.memory_space<vmem>> -> memref<1x48xi32, #tpu.memory_space<vmem>>
      %dma_wait3A_370 = tpu.memref_squeeze %dma_wait3A_369 : memref<1x48xi32, #tpu.memory_space<vmem>> -> memref<48xi32, #tpu.memory_space<vmem>>
      %dma_wait3A_371 = arith.constant 0 : i32
      %dma_wait3A_372 = arith.constant 0 : i32
      %dma_wait3A_373 = tpu.memref_slice %arg4[%dma_wait3A_371, %dma_wait3A_372] : memref<1000000x64xf32, #tpu.memory_space<hbm>> -> memref<1000000x64xf32, #tpu.memory_space<hbm>>
      tpu.wait_indirect_dma semaphore(%arg11 : memref<!tpu.dma_semaphore, #tpu.memory_space<semaphore_mem>>) src(%dma_wait3A_373 : memref<1000000x64xf32, #tpu.memory_space<hbm>>) dst(%dma_wait3A_367 : memref<48x64xf32, #tpu.memory_space<vmem>>)
      %dma_wait3A_374 = arith.constant 2 : i32
      %dma_wait3A_375 = arith.constant 144 : i32
      %dma_wait3A_376 = arith.constant 0 : i32
      %dma_wait3A_377 = tpu.memref_slice %arg7[%dma_wait3A_374, %dma_wait3A_375, %dma_wait3A_376] : memref<4x200x64xf32, #tpu.memory_space<vmem>> -> memref<1x56x64xf32, #tpu.memory_space<vmem>>
      %dma_wait3A_378 = tpu.memref_squeeze %dma_wait3A_377 : memref<1x56x64xf32, #tpu.memory_space<vmem>> -> memref<56x64xf32, #tpu.memory_space<vmem>>
      %dma_wait3A_379 = arith.constant 144 : i32
      %dma_wait3A_380 = tpu.memref_slice %arg6[%add3A_340, %dma_wait3A_379] : memref<256x200xi32, #tpu.memory_space<vmem>> -> memref<1x56xi32, #tpu.memory_space<vmem>>
      %dma_wait3A_381 = tpu.memref_squeeze %dma_wait3A_380 : memref<1x56xi32, #tpu.memory_space<vmem>> -> memref<56xi32, #tpu.memory_space<vmem>>
      %dma_wait3A_382 = arith.constant 0 : i32
      %dma_wait3A_383 = arith.constant 0 : i32
      %dma_wait3A_384 = tpu.memref_slice %arg4[%dma_wait3A_382, %dma_wait3A_383] : memref<1000000x64xf32, #tpu.memory_space<hbm>> -> memref<1000000x64xf32, #tpu.memory_space<hbm>>
      tpu.wait_indirect_dma semaphore(%arg11 : memref<!tpu.dma_semaphore, #tpu.memory_space<semaphore_mem>>) src(%dma_wait3A_384 : memref<1000000x64xf32, #tpu.memory_space<hbm>>) dst(%dma_wait3A_378 : memref<56x64xf32, #tpu.memory_space<vmem>>)
      %add3A_385 = arith.constant 3 : i32
      %add3A_386 = arith.addi %add3A_340, %add3A_385 : i32
      %lt3A_387 = arith.constant 256 : i32
      %lt3A_388 = arith.cmpi slt, %add3A_386, %lt3A_387 : i32
      %convert_element_type3A_389 = arith.extui %lt3A_388 : i1 to i32
      %cond3A_390 = arith.constant 0 : i32
      %cond3A_391 = arith.cmpi ne, %convert_element_type3A_389, %cond3A_390 : i32
      scf.if %cond3A_391 {
        %dma_start3A_519 = arith.constant 1 : i32
        %dma_start3A_520 = arith.constant 0 : i32
        %dma_start3A_521 = arith.constant 0 : i32
        %dma_start3A_522 = tpu.memref_slice %arg7[%dma_start3A_519, %dma_start3A_520, %dma_start3A_521] : memref<4x200x64xf32, #tpu.memory_space<vmem>> -> memref<1x48x64xf32, #tpu.memory_space<vmem>>
        %dma_start3A_523 = tpu.memref_squeeze %dma_start3A_522 : memref<1x48x64xf32, #tpu.memory_space<vmem>> -> memref<48x64xf32, #tpu.memory_space<vmem>>
        %dma_start3A_524 = arith.constant 0 : i32
        %dma_start3A_525 = tpu.memref_slice %arg6[%add3A_386, %dma_start3A_524] : memref<256x200xi32, #tpu.memory_space<vmem>> -> memref<1x48xi32, #tpu.memory_space<vmem>>
        %dma_start3A_526 = tpu.memref_squeeze %dma_start3A_525 : memref<1x48xi32, #tpu.memory_space<vmem>> -> memref<48xi32, #tpu.memory_space<vmem>>
        %dma_start3A_527 = arith.constant 0 : i32
        %dma_start3A_528 = arith.constant 0 : i32
        %dma_start3A_529 = tpu.memref_slice %arg4[%dma_start3A_527, %dma_start3A_528] : memref<1000000x64xf32, #tpu.memory_space<hbm>> -> memref<1000000x64xf32, #tpu.memory_space<hbm>>
        tpu.enqueue_indirect_dma source(%dma_start3A_529 : memref<1000000x64xf32, #tpu.memory_space<hbm>>) target(%dma_start3A_523 : memref<48x64xf32, #tpu.memory_space<vmem>>) offsets(%dma_start3A_526 : memref<48xi32, #tpu.memory_space<vmem>>) semaphore(%arg10 : memref<!tpu.dma_semaphore, #tpu.memory_space<semaphore_mem>>)
        %dma_start3A_530 = arith.constant 1 : i32
        %dma_start3A_531 = arith.constant 48 : i32
        %dma_start3A_532 = arith.constant 0 : i32
        %dma_start3A_533 = tpu.memref_slice %arg7[%dma_start3A_530, %dma_start3A_531, %dma_start3A_532] : memref<4x200x64xf32, #tpu.memory_space<vmem>> -> memref<1x48x64xf32, #tpu.memory_space<vmem>>
        %dma_start3A_534 = tpu.memref_squeeze %dma_start3A_533 : memref<1x48x64xf32, #tpu.memory_space<vmem>> -> memref<48x64xf32, #tpu.memory_space<vmem>>
        %dma_start3A_535 = arith.constant 48 : i32
        %dma_start3A_536 = tpu.memref_slice %arg6[%add3A_386, %dma_start3A_535] : memref<256x200xi32, #tpu.memory_space<vmem>> -> memref<1x48xi32, #tpu.memory_space<vmem>>
        %dma_start3A_537 = tpu.memref_squeeze %dma_start3A_536 : memref<1x48xi32, #tpu.memory_space<vmem>> -> memref<48xi32, #tpu.memory_space<vmem>>
        %dma_start3A_538 = arith.constant 0 : i32
        %dma_start3A_539 = arith.constant 0 : i32
        %dma_start3A_540 = tpu.memref_slice %arg4[%dma_start3A_538, %dma_start3A_539] : memref<1000000x64xf32, #tpu.memory_space<hbm>> -> memref<1000000x64xf32, #tpu.memory_space<hbm>>
        tpu.enqueue_indirect_dma source(%dma_start3A_540 : memref<1000000x64xf32, #tpu.memory_space<hbm>>) target(%dma_start3A_534 : memref<48x64xf32, #tpu.memory_space<vmem>>) offsets(%dma_start3A_537 : memref<48xi32, #tpu.memory_space<vmem>>) semaphore(%arg10 : memref<!tpu.dma_semaphore, #tpu.memory_space<semaphore_mem>>)
        %dma_start3A_541 = arith.constant 1 : i32
        %dma_start3A_542 = arith.constant 96 : i32
        %dma_start3A_543 = arith.constant 0 : i32
        %dma_start3A_544 = tpu.memref_slice %arg7[%dma_start3A_541, %dma_start3A_542, %dma_start3A_543] : memref<4x200x64xf32, #tpu.memory_space<vmem>> -> memref<1x48x64xf32, #tpu.memory_space<vmem>>
        %dma_start3A_545 = tpu.memref_squeeze %dma_start3A_544 : memref<1x48x64xf32, #tpu.memory_space<vmem>> -> memref<48x64xf32, #tpu.memory_space<vmem>>
        %dma_start3A_546 = arith.constant 96 : i32
        %dma_start3A_547 = tpu.memref_slice %arg6[%add3A_386, %dma_start3A_546] : memref<256x200xi32, #tpu.memory_space<vmem>> -> memref<1x48xi32, #tpu.memory_space<vmem>>
        %dma_start3A_548 = tpu.memref_squeeze %dma_start3A_547 : memref<1x48xi32, #tpu.memory_space<vmem>> -> memref<48xi32, #tpu.memory_space<vmem>>
        %dma_start3A_549 = arith.constant 0 : i32
        %dma_start3A_550 = arith.constant 0 : i32
        %dma_start3A_551 = tpu.memref_slice %arg4[%dma_start3A_549, %dma_start3A_550] : memref<1000000x64xf32, #tpu.memory_space<hbm>> -> memref<1000000x64xf32, #tpu.memory_space<hbm>>
        tpu.enqueue_indirect_dma source(%dma_start3A_551 : memref<1000000x64xf32, #tpu.memory_space<hbm>>) target(%dma_start3A_545 : memref<48x64xf32, #tpu.memory_space<vmem>>) offsets(%dma_start3A_548 : memref<48xi32, #tpu.memory_space<vmem>>) semaphore(%arg10 : memref<!tpu.dma_semaphore, #tpu.memory_space<semaphore_mem>>)
        %dma_start3A_552 = arith.constant 1 : i32
        %dma_start3A_553 = arith.constant 144 : i32
        %dma_start3A_554 = arith.constant 0 : i32
        %dma_start3A_555 = tpu.memref_slice %arg7[%dma_start3A_552, %dma_start3A_553, %dma_start3A_554] : memref<4x200x64xf32, #tpu.memory_space<vmem>> -> memref<1x56x64xf32, #tpu.memory_space<vmem>>
        %dma_start3A_556 = tpu.memref_squeeze %dma_start3A_555 : memref<1x56x64xf32, #tpu.memory_space<vmem>> -> memref<56x64xf32, #tpu.memory_space<vmem>>
        %dma_start3A_557 = arith.constant 144 : i32
        %dma_start3A_558 = tpu.memref_slice %arg6[%add3A_386, %dma_start3A_557] : memref<256x200xi32, #tpu.memory_space<vmem>> -> memref<1x56xi32, #tpu.memory_space<vmem>>
        %dma_start3A_559 = tpu.memref_squeeze %dma_start3A_558 : memref<1x56xi32, #tpu.memory_space<vmem>> -> memref<56xi32, #tpu.memory_space<vmem>>
        %dma_start3A_560 = arith.constant 0 : i32
        %dma_start3A_561 = arith.constant 0 : i32
        %dma_start3A_562 = tpu.memref_slice %arg4[%dma_start3A_560, %dma_start3A_561] : memref<1000000x64xf32, #tpu.memory_space<hbm>> -> memref<1000000x64xf32, #tpu.memory_space<hbm>>
        tpu.enqueue_indirect_dma source(%dma_start3A_562 : memref<1000000x64xf32, #tpu.memory_space<hbm>>) target(%dma_start3A_556 : memref<56x64xf32, #tpu.memory_space<vmem>>) offsets(%dma_start3A_559 : memref<56xi32, #tpu.memory_space<vmem>>) semaphore(%arg10 : memref<!tpu.dma_semaphore, #tpu.memory_space<semaphore_mem>>)
      } else {
      }
      %broadcast_in_dim3A_392 = arith.constant 0.000000e+00 : f32
      %broadcast_in_dim3A_393 = vector.broadcast %broadcast_in_dim3A_392 : f32 to vector<16xf32>
      %scan3A_394 = arith.constant 2 : i32
      %scan3A_395 = arith.constant 0 : i32
      %scan3A_396 = arith.constant 50 : i32
      %scan3A_397 = arith.addi %scan3A_395, %scan3A_396 : i32
      %scan3A_398 = arith.constant 1 : i32
      %scan3A_399:4 = scf.for %scan3A_519 = %scan3A_395 to %scan3A_397 step %scan3A_398 iter_args(%scan3A_520 = %broadcast_in_dim3A_393, %scan3A_521 = %broadcast_in_dim3A_393, %scan3A_522 = %broadcast_in_dim3A_393, %scan3A_523 = %broadcast_in_dim3A_393) -> (vector<16xf32>, vector<16xf32>, vector<16xf32>, vector<16xf32>)  : i32 {
        %mul3A_524 = arith.constant 4 : i32
        %mul3A_525 = arith.muli %scan3A_519, %mul3A_524 : i32
        %add3A_526 = arith.constant 0 : i32
        %add3A_527 = arith.addi %mul3A_525, %add3A_526 : i32
        %get3A = arith.constant 0 : i32
        %get3A_528 = arith.constant 0 : i32
        %get3A_529 = tpu.memref_slice %arg7[%scan3A_394, %get3A, %get3A_528] : memref<4x200x64xf32, #tpu.memory_space<vmem>> -> memref<1x200x64xf32, #tpu.memory_space<vmem>>
        %get3A_530 = tpu.memref_squeeze %get3A_529 : memref<1x200x64xf32, #tpu.memory_space<vmem>> -> memref<200x64xf32, #tpu.memory_space<vmem>>
        %get3A_531 = arith.index_cast %add3A_527 : i32 to index
        %get3A_532 = arith.constant 0 : index
        %get3A_533 = tpu.vector_load %get3A_530[%get3A_531, %get3A_532] {strides = array<i32>} : memref<200x64xf32, #tpu.memory_space<vmem>>, vector<1x16xf32>,
        %get3A_534 = vector.shape_cast %get3A_533 : vector<1x16xf32> to vector<16xf32>
        %add3A_535 = arith.addf %scan3A_520, %get3A_534 : vector<16xf32>
        %get3A_536 = arith.constant 0 : i32
        %get3A_537 = arith.constant 0 : i32
        %get3A_538 = tpu.memref_slice %arg7[%scan3A_394, %get3A_536, %get3A_537] : memref<4x200x64xf32, #tpu.memory_space<vmem>> -> memref<1x200x64xf32, #tpu.memory_space<vmem>>
        %get3A_539 = tpu.memref_squeeze %get3A_538 : memref<1x200x64xf32, #tpu.memory_space<vmem>> -> memref<200x64xf32, #tpu.memory_space<vmem>>
        %get3A_540 = arith.index_cast %add3A_527 : i32 to index
        %get3A_541 = arith.constant 16 : index
        %get3A_542 = tpu.vector_load %get3A_539[%get3A_540, %get3A_541] {strides = array<i32>} : memref<200x64xf32, #tpu.memory_space<vmem>>, vector<1x16xf32>,
        %get3A_543 = vector.shape_cast %get3A_542 : vector<1x16xf32> to vector<16xf32>
        %add3A_544 = arith.addf %scan3A_521, %get3A_543 : vector<16xf32>
        %get3A_545 = arith.constant 0 : i32
        %get3A_546 = arith.constant 0 : i32
        %get3A_547 = tpu.memref_slice %arg7[%scan3A_394, %get3A_545, %get3A_546] : memref<4x200x64xf32, #tpu.memory_space<vmem>> -> memref<1x200x64xf32, #tpu.memory_space<vmem>>
        %get3A_548 = tpu.memref_squeeze %get3A_547 : memref<1x200x64xf32, #tpu.memory_space<vmem>> -> memref<200x64xf32, #tpu.memory_space<vmem>>
        %get3A_549 = arith.index_cast %add3A_527 : i32 to index
        %get3A_550 = arith.constant 32 : index
        %get3A_551 = tpu.vector_load %get3A_548[%get3A_549, %get3A_550] {strides = array<i32>} : memref<200x64xf32, #tpu.memory_space<vmem>>, vector<1x16xf32>,
        %get3A_552 = vector.shape_cast %get3A_551 : vector<1x16xf32> to vector<16xf32>
        %add3A_553 = arith.addf %scan3A_522, %get3A_552 : vector<16xf32>
        %get3A_554 = arith.constant 0 : i32
        %get3A_555 = arith.constant 0 : i32
        %get3A_556 = tpu.memref_slice %arg7[%scan3A_394, %get3A_554, %get3A_555] : memref<4x200x64xf32, #tpu.memory_space<vmem>> -> memref<1x200x64xf32, #tpu.memory_space<vmem>>
        %get3A_557 = tpu.memref_squeeze %get3A_556 : memref<1x200x64xf32, #tpu.memory_space<vmem>> -> memref<200x64xf32, #tpu.memory_space<vmem>>
        %get3A_558 = arith.index_cast %add3A_527 : i32 to index
        %get3A_559 = arith.constant 48 : index
        %get3A_560 = tpu.vector_load %get3A_557[%get3A_558, %get3A_559] {strides = array<i32>} : memref<200x64xf32, #tpu.memory_space<vmem>>, vector<1x16xf32>,
        %get3A_561 = vector.shape_cast %get3A_560 : vector<1x16xf32> to vector<16xf32>
        %add3A_562 = arith.addf %scan3A_523, %get3A_561 : vector<16xf32>
        %mul3A_563 = arith.constant 4 : i32
        %mul3A_564 = arith.muli %scan3A_519, %mul3A_563 : i32
        %add3A_565 = arith.constant 1 : i32
        %add3A_566 = arith.addi %mul3A_564, %add3A_565 : i32
        %get3A_567 = arith.constant 0 : i32
        %get3A_568 = arith.constant 0 : i32
        %get3A_569 = tpu.memref_slice %arg7[%scan3A_394, %get3A_567, %get3A_568] : memref<4x200x64xf32, #tpu.memory_space<vmem>> -> memref<1x200x64xf32, #tpu.memory_space<vmem>>
        %get3A_570 = tpu.memref_squeeze %get3A_569 : memref<1x200x64xf32, #tpu.memory_space<vmem>> -> memref<200x64xf32, #tpu.memory_space<vmem>>
        %get3A_571 = arith.index_cast %add3A_566 : i32 to index
        %get3A_572 = arith.constant 0 : index
        %get3A_573 = tpu.vector_load %get3A_570[%get3A_571, %get3A_572] {strides = array<i32>} : memref<200x64xf32, #tpu.memory_space<vmem>>, vector<1x16xf32>,
        %get3A_574 = vector.shape_cast %get3A_573 : vector<1x16xf32> to vector<16xf32>
        %add3A_575 = arith.addf %add3A_535, %get3A_574 : vector<16xf32>
        %get3A_576 = arith.constant 0 : i32
        %get3A_577 = arith.constant 0 : i32
        %get3A_578 = tpu.memref_slice %arg7[%scan3A_394, %get3A_576, %get3A_577] : memref<4x200x64xf32, #tpu.memory_space<vmem>> -> memref<1x200x64xf32, #tpu.memory_space<vmem>>
        %get3A_579 = tpu.memref_squeeze %get3A_578 : memref<1x200x64xf32, #tpu.memory_space<vmem>> -> memref<200x64xf32, #tpu.memory_space<vmem>>
        %get3A_580 = arith.index_cast %add3A_566 : i32 to index
        %get3A_581 = arith.constant 16 : index
        %get3A_582 = tpu.vector_load %get3A_579[%get3A_580, %get3A_581] {strides = array<i32>} : memref<200x64xf32, #tpu.memory_space<vmem>>, vector<1x16xf32>,
        %get3A_583 = vector.shape_cast %get3A_582 : vector<1x16xf32> to vector<16xf32>
        %add3A_584 = arith.addf %add3A_544, %get3A_583 : vector<16xf32>
        %get3A_585 = arith.constant 0 : i32
        %get3A_586 = arith.constant 0 : i32
        %get3A_587 = tpu.memref_slice %arg7[%scan3A_394, %get3A_585, %get3A_586] : memref<4x200x64xf32, #tpu.memory_space<vmem>> -> memref<1x200x64xf32, #tpu.memory_space<vmem>>
        %get3A_588 = tpu.memref_squeeze %get3A_587 : memref<1x200x64xf32, #tpu.memory_space<vmem>> -> memref<200x64xf32, #tpu.memory_space<vmem>>
        %get3A_589 = arith.index_cast %add3A_566 : i32 to index
        %get3A_590 = arith.constant 32 : index
        %get3A_591 = tpu.vector_load %get3A_588[%get3A_589, %get3A_590] {strides = array<i32>} : memref<200x64xf32, #tpu.memory_space<vmem>>, vector<1x16xf32>,
        %get3A_592 = vector.shape_cast %get3A_591 : vector<1x16xf32> to vector<16xf32>
        %add3A_593 = arith.addf %add3A_553, %get3A_592 : vector<16xf32>
        %get3A_594 = arith.constant 0 : i32
        %get3A_595 = arith.constant 0 : i32
        %get3A_596 = tpu.memref_slice %arg7[%scan3A_394, %get3A_594, %get3A_595] : memref<4x200x64xf32, #tpu.memory_space<vmem>> -> memref<1x200x64xf32, #tpu.memory_space<vmem>>
        %get3A_597 = tpu.memref_squeeze %get3A_596 : memref<1x200x64xf32, #tpu.memory_space<vmem>> -> memref<200x64xf32, #tpu.memory_space<vmem>>
        %get3A_598 = arith.index_cast %add3A_566 : i32 to index
        %get3A_599 = arith.constant 48 : index
        %get3A_600 = tpu.vector_load %get3A_597[%get3A_598, %get3A_599] {strides = array<i32>} : memref<200x64xf32, #tpu.memory_space<vmem>>, vector<1x16xf32>,
        %get3A_601 = vector.shape_cast %get3A_600 : vector<1x16xf32> to vector<16xf32>
        %add3A_602 = arith.addf %add3A_562, %get3A_601 : vector<16xf32>
        %mul3A_603 = arith.constant 4 : i32
        %mul3A_604 = arith.muli %scan3A_519, %mul3A_603 : i32
        %add3A_605 = arith.constant 2 : i32
        %add3A_606 = arith.addi %mul3A_604, %add3A_605 : i32
        %get3A_607 = arith.constant 0 : i32
        %get3A_608 = arith.constant 0 : i32
        %get3A_609 = tpu.memref_slice %arg7[%scan3A_394, %get3A_607, %get3A_608] : memref<4x200x64xf32, #tpu.memory_space<vmem>> -> memref<1x200x64xf32, #tpu.memory_space<vmem>>
        %get3A_610 = tpu.memref_squeeze %get3A_609 : memref<1x200x64xf32, #tpu.memory_space<vmem>> -> memref<200x64xf32, #tpu.memory_space<vmem>>
        %get3A_611 = arith.index_cast %add3A_606 : i32 to index
        %get3A_612 = arith.constant 0 : index
        %get3A_613 = tpu.vector_load %get3A_610[%get3A_611, %get3A_612] {strides = array<i32>} : memref<200x64xf32, #tpu.memory_space<vmem>>, vector<1x16xf32>,
        %get3A_614 = vector.shape_cast %get3A_613 : vector<1x16xf32> to vector<16xf32>
        %add3A_615 = arith.addf %add3A_575, %get3A_614 : vector<16xf32>
        %get3A_616 = arith.constant 0 : i32
        %get3A_617 = arith.constant 0 : i32
        %get3A_618 = tpu.memref_slice %arg7[%scan3A_394, %get3A_616, %get3A_617] : memref<4x200x64xf32, #tpu.memory_space<vmem>> -> memref<1x200x64xf32, #tpu.memory_space<vmem>>
        %get3A_619 = tpu.memref_squeeze %get3A_618 : memref<1x200x64xf32, #tpu.memory_space<vmem>> -> memref<200x64xf32, #tpu.memory_space<vmem>>
        %get3A_620 = arith.index_cast %add3A_606 : i32 to index
        %get3A_621 = arith.constant 16 : index
        %get3A_622 = tpu.vector_load %get3A_619[%get3A_620, %get3A_621] {strides = array<i32>} : memref<200x64xf32, #tpu.memory_space<vmem>>, vector<1x16xf32>,
        %get3A_623 = vector.shape_cast %get3A_622 : vector<1x16xf32> to vector<16xf32>
        %add3A_624 = arith.addf %add3A_584, %get3A_623 : vector<16xf32>
        %get3A_625 = arith.constant 0 : i32
        %get3A_626 = arith.constant 0 : i32
        %get3A_627 = tpu.memref_slice %arg7[%scan3A_394, %get3A_625, %get3A_626] : memref<4x200x64xf32, #tpu.memory_space<vmem>> -> memref<1x200x64xf32, #tpu.memory_space<vmem>>
        %get3A_628 = tpu.memref_squeeze %get3A_627 : memref<1x200x64xf32, #tpu.memory_space<vmem>> -> memref<200x64xf32, #tpu.memory_space<vmem>>
        %get3A_629 = arith.index_cast %add3A_606 : i32 to index
        %get3A_630 = arith.constant 32 : index
        %get3A_631 = tpu.vector_load %get3A_628[%get3A_629, %get3A_630] {strides = array<i32>} : memref<200x64xf32, #tpu.memory_space<vmem>>, vector<1x16xf32>,
        %get3A_632 = vector.shape_cast %get3A_631 : vector<1x16xf32> to vector<16xf32>
        %add3A_633 = arith.addf %add3A_593, %get3A_632 : vector<16xf32>
        %get3A_634 = arith.constant 0 : i32
        %get3A_635 = arith.constant 0 : i32
        %get3A_636 = tpu.memref_slice %arg7[%scan3A_394, %get3A_634, %get3A_635] : memref<4x200x64xf32, #tpu.memory_space<vmem>> -> memref<1x200x64xf32, #tpu.memory_space<vmem>>
        %get3A_637 = tpu.memref_squeeze %get3A_636 : memref<1x200x64xf32, #tpu.memory_space<vmem>> -> memref<200x64xf32, #tpu.memory_space<vmem>>
        %get3A_638 = arith.index_cast %add3A_606 : i32 to index
        %get3A_639 = arith.constant 48 : index
        %get3A_640 = tpu.vector_load %get3A_637[%get3A_638, %get3A_639] {strides = array<i32>} : memref<200x64xf32, #tpu.memory_space<vmem>>, vector<1x16xf32>,
        %get3A_641 = vector.shape_cast %get3A_640 : vector<1x16xf32> to vector<16xf32>
        %add3A_642 = arith.addf %add3A_602, %get3A_641 : vector<16xf32>
        %mul3A_643 = arith.constant 4 : i32
        %mul3A_644 = arith.muli %scan3A_519, %mul3A_643 : i32
        %add3A_645 = arith.constant 3 : i32
        %add3A_646 = arith.addi %mul3A_644, %add3A_645 : i32
        %get3A_647 = arith.constant 0 : i32
        %get3A_648 = arith.constant 0 : i32
        %get3A_649 = tpu.memref_slice %arg7[%scan3A_394, %get3A_647, %get3A_648] : memref<4x200x64xf32, #tpu.memory_space<vmem>> -> memref<1x200x64xf32, #tpu.memory_space<vmem>>
        %get3A_650 = tpu.memref_squeeze %get3A_649 : memref<1x200x64xf32, #tpu.memory_space<vmem>> -> memref<200x64xf32, #tpu.memory_space<vmem>>
        %get3A_651 = arith.index_cast %add3A_646 : i32 to index
        %get3A_652 = arith.constant 0 : index
        %get3A_653 = tpu.vector_load %get3A_650[%get3A_651, %get3A_652] {strides = array<i32>} : memref<200x64xf32, #tpu.memory_space<vmem>>, vector<1x16xf32>,
        %get3A_654 = vector.shape_cast %get3A_653 : vector<1x16xf32> to vector<16xf32>
        %add3A_655 = arith.addf %add3A_615, %get3A_654 : vector<16xf32>
        %get3A_656 = arith.constant 0 : i32
        %get3A_657 = arith.constant 0 : i32
        %get3A_658 = tpu.memref_slice %arg7[%scan3A_394, %get3A_656, %get3A_657] : memref<4x200x64xf32, #tpu.memory_space<vmem>> -> memref<1x200x64xf32, #tpu.memory_space<vmem>>
        %get3A_659 = tpu.memref_squeeze %get3A_658 : memref<1x200x64xf32, #tpu.memory_space<vmem>> -> memref<200x64xf32, #tpu.memory_space<vmem>>
        %get3A_660 = arith.index_cast %add3A_646 : i32 to index
        %get3A_661 = arith.constant 16 : index
        %get3A_662 = tpu.vector_load %get3A_659[%get3A_660, %get3A_661] {strides = array<i32>} : memref<200x64xf32, #tpu.memory_space<vmem>>, vector<1x16xf32>,
        %get3A_663 = vector.shape_cast %get3A_662 : vector<1x16xf32> to vector<16xf32>
        %add3A_664 = arith.addf %add3A_624, %get3A_663 : vector<16xf32>
        %get3A_665 = arith.constant 0 : i32
        %get3A_666 = arith.constant 0 : i32
        %get3A_667 = tpu.memref_slice %arg7[%scan3A_394, %get3A_665, %get3A_666] : memref<4x200x64xf32, #tpu.memory_space<vmem>> -> memref<1x200x64xf32, #tpu.memory_space<vmem>>
        %get3A_668 = tpu.memref_squeeze %get3A_667 : memref<1x200x64xf32, #tpu.memory_space<vmem>> -> memref<200x64xf32, #tpu.memory_space<vmem>>
        %get3A_669 = arith.index_cast %add3A_646 : i32 to index
        %get3A_670 = arith.constant 32 : index
        %get3A_671 = tpu.vector_load %get3A_668[%get3A_669, %get3A_670] {strides = array<i32>} : memref<200x64xf32, #tpu.memory_space<vmem>>, vector<1x16xf32>,
        %get3A_672 = vector.shape_cast %get3A_671 : vector<1x16xf32> to vector<16xf32>
        %add3A_673 = arith.addf %add3A_633, %get3A_672 : vector<16xf32>
        %get3A_674 = arith.constant 0 : i32
        %get3A_675 = arith.constant 0 : i32
        %get3A_676 = tpu.memref_slice %arg7[%scan3A_394, %get3A_674, %get3A_675] : memref<4x200x64xf32, #tpu.memory_space<vmem>> -> memref<1x200x64xf32, #tpu.memory_space<vmem>>
        %get3A_677 = tpu.memref_squeeze %get3A_676 : memref<1x200x64xf32, #tpu.memory_space<vmem>> -> memref<200x64xf32, #tpu.memory_space<vmem>>
        %get3A_678 = arith.index_cast %add3A_646 : i32 to index
        %get3A_679 = arith.constant 48 : index
        %get3A_680 = tpu.vector_load %get3A_677[%get3A_678, %get3A_679] {strides = array<i32>} : memref<200x64xf32, #tpu.memory_space<vmem>>, vector<1x16xf32>,
        %get3A_681 = vector.shape_cast %get3A_680 : vector<1x16xf32> to vector<16xf32>
        %add3A_682 = arith.addf %add3A_642, %get3A_681 : vector<16xf32>
        scf.yield %add3A_655, %add3A_664, %add3A_673, %add3A_682 : vector<16xf32>, vector<16xf32>, vector<16xf32>, vector<16xf32>
      }
      %scan3A_400 = arith.constant 50 : i32
      %mul3A_401 = vector.broadcast %scan3A : f32 to vector<16xf32>
      %mul3A_402 = arith.mulf %scan3A_399#0, %mul3A_401 : vector<16xf32>
      %swap3A_403 = arith.index_cast %add3A_340 : i32 to index
      %swap3A_404 = arith.constant 0 : index
      %swap3A_405 = tpu.vector_load %arg8[%swap3A_403, %swap3A_404] {strides = array<i32>} : memref<256x64xf32, #tpu.memory_space<vmem>>, vector<1x16xf32>,
      %swap3A_406 = vector.shape_cast %swap3A_405 : vector<1x16xf32> to vector<16xf32>
      %swap3A_407 = vector.shape_cast %mul3A_402 : vector<16xf32> to vector<1x16xf32>
      tpu.vector_store %arg8[%swap3A_403, %swap3A_404], %swap3A_407 {strides = array<i32>} : memref<256x64xf32, #tpu.memory_space<vmem>>, vector<1x16xf32>,
      %mul3A_408 = vector.broadcast %scan3A : f32 to vector<16xf32>
      %mul3A_409 = arith.mulf %scan3A_399#1, %mul3A_408 : vector<16xf32>
      %swap3A_410 = arith.index_cast %add3A_340 : i32 to index
      %swap3A_411 = arith.constant 16 : index
      %swap3A_412 = tpu.vector_load %arg8[%swap3A_410, %swap3A_411] {strides = array<i32>} : memref<256x64xf32, #tpu.memory_space<vmem>>, vector<1x16xf32>,
      %swap3A_413 = vector.shape_cast %swap3A_412 : vector<1x16xf32> to vector<16xf32>
      %swap3A_414 = vector.shape_cast %mul3A_409 : vector<16xf32> to vector<1x16xf32>
      tpu.vector_store %arg8[%swap3A_410, %swap3A_411], %swap3A_414 {strides = array<i32>} : memref<256x64xf32, #tpu.memory_space<vmem>>, vector<1x16xf32>,
      %mul3A_415 = vector.broadcast %scan3A : f32 to vector<16xf32>
      %mul3A_416 = arith.mulf %scan3A_399#2, %mul3A_415 : vector<16xf32>
      %swap3A_417 = arith.index_cast %add3A_340 : i32 to index
      %swap3A_418 = arith.constant 32 : index
      %swap3A_419 = tpu.vector_load %arg8[%swap3A_417, %swap3A_418] {strides = array<i32>} : memref<256x64xf32, #tpu.memory_space<vmem>>, vector<1x16xf32>,
      %swap3A_420 = vector.shape_cast %swap3A_419 : vector<1x16xf32> to vector<16xf32>
      %swap3A_421 = vector.shape_cast %mul3A_416 : vector<16xf32> to vector<1x16xf32>
      tpu.vector_store %arg8[%swap3A_417, %swap3A_418], %swap3A_421 {strides = array<i32>} : memref<256x64xf32, #tpu.memory_space<vmem>>, vector<1x16xf32>,
      %mul3A_422 = vector.broadcast %scan3A : f32 to vector<16xf32>
      %mul3A_423 = arith.mulf %scan3A_399#3, %mul3A_422 : vector<16xf32>
      %swap3A_424 = arith.index_cast %add3A_340 : i32 to index
      %swap3A_425 = arith.constant 48 : index
      %swap3A_426 = tpu.vector_load %arg8[%swap3A_424, %swap3A_425] {strides = array<i32>} : memref<256x64xf32, #tpu.memory_space<vmem>>, vector<1x16xf32>,
      %swap3A_427 = vector.shape_cast %swap3A_426 : vector<1x16xf32> to vector<16xf32>
      %swap3A_428 = vector.shape_cast %mul3A_423 : vector<16xf32> to vector<1x16xf32>
      tpu.vector_store %arg8[%swap3A_424, %swap3A_425], %swap3A_428 {strides = array<i32>} : memref<256x64xf32, #tpu.memory_space<vmem>>, vector<1x16xf32>,
      %add3A_429 = arith.constant 3 : i32
      %add3A_430 = arith.addi %add3A_161, %add3A_429 : i32
      %dma_wait3A_431 = arith.constant 3 : i32
      %dma_wait3A_432 = arith.constant 0 : i32
      %dma_wait3A_433 = arith.constant 0 : i32
      %dma_wait3A_434 = tpu.memref_slice %arg7[%dma_wait3A_431, %dma_wait3A_432, %dma_wait3A_433] : memref<4x200x64xf32, #tpu.memory_space<vmem>> -> memref<1x48x64xf32, #tpu.memory_space<vmem>>
      %dma_wait3A_435 = tpu.memref_squeeze %dma_wait3A_434 : memref<1x48x64xf32, #tpu.memory_space<vmem>> -> memref<48x64xf32, #tpu.memory_space<vmem>>
      %dma_wait3A_436 = arith.constant 0 : i32
      %dma_wait3A_437 = tpu.memref_slice %arg6[%add3A_430, %dma_wait3A_436] : memref<256x200xi32, #tpu.memory_space<vmem>> -> memref<1x48xi32, #tpu.memory_space<vmem>>
      %dma_wait3A_438 = tpu.memref_squeeze %dma_wait3A_437 : memref<1x48xi32, #tpu.memory_space<vmem>> -> memref<48xi32, #tpu.memory_space<vmem>>
      %dma_wait3A_439 = arith.constant 0 : i32
      %dma_wait3A_440 = arith.constant 0 : i32
      %dma_wait3A_441 = tpu.memref_slice %arg4[%dma_wait3A_439, %dma_wait3A_440] : memref<1000000x64xf32, #tpu.memory_space<hbm>> -> memref<1000000x64xf32, #tpu.memory_space<hbm>>
      tpu.wait_indirect_dma semaphore(%arg12 : memref<!tpu.dma_semaphore, #tpu.memory_space<semaphore_mem>>) src(%dma_wait3A_441 : memref<1000000x64xf32, #tpu.memory_space<hbm>>) dst(%dma_wait3A_435 : memref<48x64xf32, #tpu.memory_space<vmem>>)
      %dma_wait3A_442 = arith.constant 3 : i32
      %dma_wait3A_443 = arith.constant 48 : i32
      %dma_wait3A_444 = arith.constant 0 : i32
      %dma_wait3A_445 = tpu.memref_slice %arg7[%dma_wait3A_442, %dma_wait3A_443, %dma_wait3A_444] : memref<4x200x64xf32, #tpu.memory_space<vmem>> -> memref<1x48x64xf32, #tpu.memory_space<vmem>>
      %dma_wait3A_446 = tpu.memref_squeeze %dma_wait3A_445 : memref<1x48x64xf32, #tpu.memory_space<vmem>> -> memref<48x64xf32, #tpu.memory_space<vmem>>
      %dma_wait3A_447 = arith.constant 48 : i32
      %dma_wait3A_448 = tpu.memref_slice %arg6[%add3A_430, %dma_wait3A_447] : memref<256x200xi32, #tpu.memory_space<vmem>> -> memref<1x48xi32, #tpu.memory_space<vmem>>
      %dma_wait3A_449 = tpu.memref_squeeze %dma_wait3A_448 : memref<1x48xi32, #tpu.memory_space<vmem>> -> memref<48xi32, #tpu.memory_space<vmem>>
      %dma_wait3A_450 = arith.constant 0 : i32
      %dma_wait3A_451 = arith.constant 0 : i32
      %dma_wait3A_452 = tpu.memref_slice %arg4[%dma_wait3A_450, %dma_wait3A_451] : memref<1000000x64xf32, #tpu.memory_space<hbm>> -> memref<1000000x64xf32, #tpu.memory_space<hbm>>
      tpu.wait_indirect_dma semaphore(%arg12 : memref<!tpu.dma_semaphore, #tpu.memory_space<semaphore_mem>>) src(%dma_wait3A_452 : memref<1000000x64xf32, #tpu.memory_space<hbm>>) dst(%dma_wait3A_446 : memref<48x64xf32, #tpu.memory_space<vmem>>)
      %dma_wait3A_453 = arith.constant 3 : i32
      %dma_wait3A_454 = arith.constant 96 : i32
      %dma_wait3A_455 = arith.constant 0 : i32
      %dma_wait3A_456 = tpu.memref_slice %arg7[%dma_wait3A_453, %dma_wait3A_454, %dma_wait3A_455] : memref<4x200x64xf32, #tpu.memory_space<vmem>> -> memref<1x48x64xf32, #tpu.memory_space<vmem>>
      %dma_wait3A_457 = tpu.memref_squeeze %dma_wait3A_456 : memref<1x48x64xf32, #tpu.memory_space<vmem>> -> memref<48x64xf32, #tpu.memory_space<vmem>>
      %dma_wait3A_458 = arith.constant 96 : i32
      %dma_wait3A_459 = tpu.memref_slice %arg6[%add3A_430, %dma_wait3A_458] : memref<256x200xi32, #tpu.memory_space<vmem>> -> memref<1x48xi32, #tpu.memory_space<vmem>>
      %dma_wait3A_460 = tpu.memref_squeeze %dma_wait3A_459 : memref<1x48xi32, #tpu.memory_space<vmem>> -> memref<48xi32, #tpu.memory_space<vmem>>
      %dma_wait3A_461 = arith.constant 0 : i32
      %dma_wait3A_462 = arith.constant 0 : i32
      %dma_wait3A_463 = tpu.memref_slice %arg4[%dma_wait3A_461, %dma_wait3A_462] : memref<1000000x64xf32, #tpu.memory_space<hbm>> -> memref<1000000x64xf32, #tpu.memory_space<hbm>>
      tpu.wait_indirect_dma semaphore(%arg12 : memref<!tpu.dma_semaphore, #tpu.memory_space<semaphore_mem>>) src(%dma_wait3A_463 : memref<1000000x64xf32, #tpu.memory_space<hbm>>) dst(%dma_wait3A_457 : memref<48x64xf32, #tpu.memory_space<vmem>>)
      %dma_wait3A_464 = arith.constant 3 : i32
      %dma_wait3A_465 = arith.constant 144 : i32
      %dma_wait3A_466 = arith.constant 0 : i32
      %dma_wait3A_467 = tpu.memref_slice %arg7[%dma_wait3A_464, %dma_wait3A_465, %dma_wait3A_466] : memref<4x200x64xf32, #tpu.memory_space<vmem>> -> memref<1x56x64xf32, #tpu.memory_space<vmem>>
      %dma_wait3A_468 = tpu.memref_squeeze %dma_wait3A_467 : memref<1x56x64xf32, #tpu.memory_space<vmem>> -> memref<56x64xf32, #tpu.memory_space<vmem>>
      %dma_wait3A_469 = arith.constant 144 : i32
      %dma_wait3A_470 = tpu.memref_slice %arg6[%add3A_430, %dma_wait3A_469] : memref<256x200xi32, #tpu.memory_space<vmem>> -> memref<1x56xi32, #tpu.memory_space<vmem>>
      %dma_wait3A_471 = tpu.memref_squeeze %dma_wait3A_470 : memref<1x56xi32, #tpu.memory_space<vmem>> -> memref<56xi32, #tpu.memory_space<vmem>>
      %dma_wait3A_472 = arith.constant 0 : i32
      %dma_wait3A_473 = arith.constant 0 : i32
      %dma_wait3A_474 = tpu.memref_slice %arg4[%dma_wait3A_472, %dma_wait3A_473] : memref<1000000x64xf32, #tpu.memory_space<hbm>> -> memref<1000000x64xf32, #tpu.memory_space<hbm>>
      tpu.wait_indirect_dma semaphore(%arg12 : memref<!tpu.dma_semaphore, #tpu.memory_space<semaphore_mem>>) src(%dma_wait3A_474 : memref<1000000x64xf32, #tpu.memory_space<hbm>>) dst(%dma_wait3A_468 : memref<56x64xf32, #tpu.memory_space<vmem>>)
      %add3A_475 = arith.constant 3 : i32
      %add3A_476 = arith.addi %add3A_430, %add3A_475 : i32
      %lt3A_477 = arith.constant 256 : i32
      %lt3A_478 = arith.cmpi slt, %add3A_476, %lt3A_477 : i32
      %convert_element_type3A_479 = arith.extui %lt3A_478 : i1 to i32
      %cond3A_480 = arith.constant 0 : i32
      %cond3A_481 = arith.cmpi ne, %convert_element_type3A_479, %cond3A_480 : i32
      scf.if %cond3A_481 {
        %dma_start3A_519 = arith.constant 2 : i32
        %dma_start3A_520 = arith.constant 0 : i32
        %dma_start3A_521 = arith.constant 0 : i32
        %dma_start3A_522 = tpu.memref_slice %arg7[%dma_start3A_519, %dma_start3A_520, %dma_start3A_521] : memref<4x200x64xf32, #tpu.memory_space<vmem>> -> memref<1x48x64xf32, #tpu.memory_space<vmem>>
        %dma_start3A_523 = tpu.memref_squeeze %dma_start3A_522 : memref<1x48x64xf32, #tpu.memory_space<vmem>> -> memref<48x64xf32, #tpu.memory_space<vmem>>
        %dma_start3A_524 = arith.constant 0 : i32
        %dma_start3A_525 = tpu.memref_slice %arg6[%add3A_476, %dma_start3A_524] : memref<256x200xi32, #tpu.memory_space<vmem>> -> memref<1x48xi32, #tpu.memory_space<vmem>>
        %dma_start3A_526 = tpu.memref_squeeze %dma_start3A_525 : memref<1x48xi32, #tpu.memory_space<vmem>> -> memref<48xi32, #tpu.memory_space<vmem>>
        %dma_start3A_527 = arith.constant 0 : i32
        %dma_start3A_528 = arith.constant 0 : i32
        %dma_start3A_529 = tpu.memref_slice %arg4[%dma_start3A_527, %dma_start3A_528] : memref<1000000x64xf32, #tpu.memory_space<hbm>> -> memref<1000000x64xf32, #tpu.memory_space<hbm>>
        tpu.enqueue_indirect_dma source(%dma_start3A_529 : memref<1000000x64xf32, #tpu.memory_space<hbm>>) target(%dma_start3A_523 : memref<48x64xf32, #tpu.memory_space<vmem>>) offsets(%dma_start3A_526 : memref<48xi32, #tpu.memory_space<vmem>>) semaphore(%arg11 : memref<!tpu.dma_semaphore, #tpu.memory_space<semaphore_mem>>)
        %dma_start3A_530 = arith.constant 2 : i32
        %dma_start3A_531 = arith.constant 48 : i32
        %dma_start3A_532 = arith.constant 0 : i32
        %dma_start3A_533 = tpu.memref_slice %arg7[%dma_start3A_530, %dma_start3A_531, %dma_start3A_532] : memref<4x200x64xf32, #tpu.memory_space<vmem>> -> memref<1x48x64xf32, #tpu.memory_space<vmem>>
        %dma_start3A_534 = tpu.memref_squeeze %dma_start3A_533 : memref<1x48x64xf32, #tpu.memory_space<vmem>> -> memref<48x64xf32, #tpu.memory_space<vmem>>
        %dma_start3A_535 = arith.constant 48 : i32
        %dma_start3A_536 = tpu.memref_slice %arg6[%add3A_476, %dma_start3A_535] : memref<256x200xi32, #tpu.memory_space<vmem>> -> memref<1x48xi32, #tpu.memory_space<vmem>>
        %dma_start3A_537 = tpu.memref_squeeze %dma_start3A_536 : memref<1x48xi32, #tpu.memory_space<vmem>> -> memref<48xi32, #tpu.memory_space<vmem>>
        %dma_start3A_538 = arith.constant 0 : i32
        %dma_start3A_539 = arith.constant 0 : i32
        %dma_start3A_540 = tpu.memref_slice %arg4[%dma_start3A_538, %dma_start3A_539] : memref<1000000x64xf32, #tpu.memory_space<hbm>> -> memref<1000000x64xf32, #tpu.memory_space<hbm>>
        tpu.enqueue_indirect_dma source(%dma_start3A_540 : memref<1000000x64xf32, #tpu.memory_space<hbm>>) target(%dma_start3A_534 : memref<48x64xf32, #tpu.memory_space<vmem>>) offsets(%dma_start3A_537 : memref<48xi32, #tpu.memory_space<vmem>>) semaphore(%arg11 : memref<!tpu.dma_semaphore, #tpu.memory_space<semaphore_mem>>)
        %dma_start3A_541 = arith.constant 2 : i32
        %dma_start3A_542 = arith.constant 96 : i32
        %dma_start3A_543 = arith.constant 0 : i32
        %dma_start3A_544 = tpu.memref_slice %arg7[%dma_start3A_541, %dma_start3A_542, %dma_start3A_543] : memref<4x200x64xf32, #tpu.memory_space<vmem>> -> memref<1x48x64xf32, #tpu.memory_space<vmem>>
        %dma_start3A_545 = tpu.memref_squeeze %dma_start3A_544 : memref<1x48x64xf32, #tpu.memory_space<vmem>> -> memref<48x64xf32, #tpu.memory_space<vmem>>
        %dma_start3A_546 = arith.constant 96 : i32
        %dma_start3A_547 = tpu.memref_slice %arg6[%add3A_476, %dma_start3A_546] : memref<256x200xi32, #tpu.memory_space<vmem>> -> memref<1x48xi32, #tpu.memory_space<vmem>>
        %dma_start3A_548 = tpu.memref_squeeze %dma_start3A_547 : memref<1x48xi32, #tpu.memory_space<vmem>> -> memref<48xi32, #tpu.memory_space<vmem>>
        %dma_start3A_549 = arith.constant 0 : i32
        %dma_start3A_550 = arith.constant 0 : i32
        %dma_start3A_551 = tpu.memref_slice %arg4[%dma_start3A_549, %dma_start3A_550] : memref<1000000x64xf32, #tpu.memory_space<hbm>> -> memref<1000000x64xf32, #tpu.memory_space<hbm>>
        tpu.enqueue_indirect_dma source(%dma_start3A_551 : memref<1000000x64xf32, #tpu.memory_space<hbm>>) target(%dma_start3A_545 : memref<48x64xf32, #tpu.memory_space<vmem>>) offsets(%dma_start3A_548 : memref<48xi32, #tpu.memory_space<vmem>>) semaphore(%arg11 : memref<!tpu.dma_semaphore, #tpu.memory_space<semaphore_mem>>)
        %dma_start3A_552 = arith.constant 2 : i32
        %dma_start3A_553 = arith.constant 144 : i32
        %dma_start3A_554 = arith.constant 0 : i32
        %dma_start3A_555 = tpu.memref_slice %arg7[%dma_start3A_552, %dma_start3A_553, %dma_start3A_554] : memref<4x200x64xf32, #tpu.memory_space<vmem>> -> memref<1x56x64xf32, #tpu.memory_space<vmem>>
        %dma_start3A_556 = tpu.memref_squeeze %dma_start3A_555 : memref<1x56x64xf32, #tpu.memory_space<vmem>> -> memref<56x64xf32, #tpu.memory_space<vmem>>
        %dma_start3A_557 = arith.constant 144 : i32
        %dma_start3A_558 = tpu.memref_slice %arg6[%add3A_476, %dma_start3A_557] : memref<256x200xi32, #tpu.memory_space<vmem>> -> memref<1x56xi32, #tpu.memory_space<vmem>>
        %dma_start3A_559 = tpu.memref_squeeze %dma_start3A_558 : memref<1x56xi32, #tpu.memory_space<vmem>> -> memref<56xi32, #tpu.memory_space<vmem>>
        %dma_start3A_560 = arith.constant 0 : i32
        %dma_start3A_561 = arith.constant 0 : i32
        %dma_start3A_562 = tpu.memref_slice %arg4[%dma_start3A_560, %dma_start3A_561] : memref<1000000x64xf32, #tpu.memory_space<hbm>> -> memref<1000000x64xf32, #tpu.memory_space<hbm>>
        tpu.enqueue_indirect_dma source(%dma_start3A_562 : memref<1000000x64xf32, #tpu.memory_space<hbm>>) target(%dma_start3A_556 : memref<56x64xf32, #tpu.memory_space<vmem>>) offsets(%dma_start3A_559 : memref<56xi32, #tpu.memory_space<vmem>>) semaphore(%arg11 : memref<!tpu.dma_semaphore, #tpu.memory_space<semaphore_mem>>)
      } else {
      }
      %broadcast_in_dim3A_482 = arith.constant 0.000000e+00 : f32
      %broadcast_in_dim3A_483 = vector.broadcast %broadcast_in_dim3A_482 : f32 to vector<16xf32>
      %scan3A_484 = arith.constant 3 : i32
      %scan3A_485 = arith.constant 0 : i32
      %scan3A_486 = arith.constant 50 : i32
      %scan3A_487 = arith.addi %scan3A_485, %scan3A_486 : i32
      %scan3A_488 = arith.constant 1 : i32
      %scan3A_489:4 = scf.for %scan3A_519 = %scan3A_485 to %scan3A_487 step %scan3A_488 iter_args(%scan3A_520 = %broadcast_in_dim3A_483, %scan3A_521 = %broadcast_in_dim3A_483, %scan3A_522 = %broadcast_in_dim3A_483, %scan3A_523 = %broadcast_in_dim3A_483) -> (vector<16xf32>, vector<16xf32>, vector<16xf32>, vector<16xf32>)  : i32 {
        %mul3A_524 = arith.constant 4 : i32
        %mul3A_525 = arith.muli %scan3A_519, %mul3A_524 : i32
        %add3A_526 = arith.constant 0 : i32
        %add3A_527 = arith.addi %mul3A_525, %add3A_526 : i32
        %get3A = arith.constant 0 : i32
        %get3A_528 = arith.constant 0 : i32
        %get3A_529 = tpu.memref_slice %arg7[%scan3A_484, %get3A, %get3A_528] : memref<4x200x64xf32, #tpu.memory_space<vmem>> -> memref<1x200x64xf32, #tpu.memory_space<vmem>>
        %get3A_530 = tpu.memref_squeeze %get3A_529 : memref<1x200x64xf32, #tpu.memory_space<vmem>> -> memref<200x64xf32, #tpu.memory_space<vmem>>
        %get3A_531 = arith.index_cast %add3A_527 : i32 to index
        %get3A_532 = arith.constant 0 : index
        %get3A_533 = tpu.vector_load %get3A_530[%get3A_531, %get3A_532] {strides = array<i32>} : memref<200x64xf32, #tpu.memory_space<vmem>>, vector<1x16xf32>,
        %get3A_534 = vector.shape_cast %get3A_533 : vector<1x16xf32> to vector<16xf32>
        %add3A_535 = arith.addf %scan3A_520, %get3A_534 : vector<16xf32>
        %get3A_536 = arith.constant 0 : i32
        %get3A_537 = arith.constant 0 : i32
        %get3A_538 = tpu.memref_slice %arg7[%scan3A_484, %get3A_536, %get3A_537] : memref<4x200x64xf32, #tpu.memory_space<vmem>> -> memref<1x200x64xf32, #tpu.memory_space<vmem>>
        %get3A_539 = tpu.memref_squeeze %get3A_538 : memref<1x200x64xf32, #tpu.memory_space<vmem>> -> memref<200x64xf32, #tpu.memory_space<vmem>>
        %get3A_540 = arith.index_cast %add3A_527 : i32 to index
        %get3A_541 = arith.constant 16 : index
        %get3A_542 = tpu.vector_load %get3A_539[%get3A_540, %get3A_541] {strides = array<i32>} : memref<200x64xf32, #tpu.memory_space<vmem>>, vector<1x16xf32>,
        %get3A_543 = vector.shape_cast %get3A_542 : vector<1x16xf32> to vector<16xf32>
        %add3A_544 = arith.addf %scan3A_521, %get3A_543 : vector<16xf32>
        %get3A_545 = arith.constant 0 : i32
        %get3A_546 = arith.constant 0 : i32
        %get3A_547 = tpu.memref_slice %arg7[%scan3A_484, %get3A_545, %get3A_546] : memref<4x200x64xf32, #tpu.memory_space<vmem>> -> memref<1x200x64xf32, #tpu.memory_space<vmem>>
        %get3A_548 = tpu.memref_squeeze %get3A_547 : memref<1x200x64xf32, #tpu.memory_space<vmem>> -> memref<200x64xf32, #tpu.memory_space<vmem>>
        %get3A_549 = arith.index_cast %add3A_527 : i32 to index
        %get3A_550 = arith.constant 32 : index
        %get3A_551 = tpu.vector_load %get3A_548[%get3A_549, %get3A_550] {strides = array<i32>} : memref<200x64xf32, #tpu.memory_space<vmem>>, vector<1x16xf32>,
        %get3A_552 = vector.shape_cast %get3A_551 : vector<1x16xf32> to vector<16xf32>
        %add3A_553 = arith.addf %scan3A_522, %get3A_552 : vector<16xf32>
        %get3A_554 = arith.constant 0 : i32
        %get3A_555 = arith.constant 0 : i32
        %get3A_556 = tpu.memref_slice %arg7[%scan3A_484, %get3A_554, %get3A_555] : memref<4x200x64xf32, #tpu.memory_space<vmem>> -> memref<1x200x64xf32, #tpu.memory_space<vmem>>
        %get3A_557 = tpu.memref_squeeze %get3A_556 : memref<1x200x64xf32, #tpu.memory_space<vmem>> -> memref<200x64xf32, #tpu.memory_space<vmem>>
        %get3A_558 = arith.index_cast %add3A_527 : i32 to index
        %get3A_559 = arith.constant 48 : index
        %get3A_560 = tpu.vector_load %get3A_557[%get3A_558, %get3A_559] {strides = array<i32>} : memref<200x64xf32, #tpu.memory_space<vmem>>, vector<1x16xf32>,
        %get3A_561 = vector.shape_cast %get3A_560 : vector<1x16xf32> to vector<16xf32>
        %add3A_562 = arith.addf %scan3A_523, %get3A_561 : vector<16xf32>
        %mul3A_563 = arith.constant 4 : i32
        %mul3A_564 = arith.muli %scan3A_519, %mul3A_563 : i32
        %add3A_565 = arith.constant 1 : i32
        %add3A_566 = arith.addi %mul3A_564, %add3A_565 : i32
        %get3A_567 = arith.constant 0 : i32
        %get3A_568 = arith.constant 0 : i32
        %get3A_569 = tpu.memref_slice %arg7[%scan3A_484, %get3A_567, %get3A_568] : memref<4x200x64xf32, #tpu.memory_space<vmem>> -> memref<1x200x64xf32, #tpu.memory_space<vmem>>
        %get3A_570 = tpu.memref_squeeze %get3A_569 : memref<1x200x64xf32, #tpu.memory_space<vmem>> -> memref<200x64xf32, #tpu.memory_space<vmem>>
        %get3A_571 = arith.index_cast %add3A_566 : i32 to index
        %get3A_572 = arith.constant 0 : index
        %get3A_573 = tpu.vector_load %get3A_570[%get3A_571, %get3A_572] {strides = array<i32>} : memref<200x64xf32, #tpu.memory_space<vmem>>, vector<1x16xf32>,
        %get3A_574 = vector.shape_cast %get3A_573 : vector<1x16xf32> to vector<16xf32>
        %add3A_575 = arith.addf %add3A_535, %get3A_574 : vector<16xf32>
        %get3A_576 = arith.constant 0 : i32
        %get3A_577 = arith.constant 0 : i32
        %get3A_578 = tpu.memref_slice %arg7[%scan3A_484, %get3A_576, %get3A_577] : memref<4x200x64xf32, #tpu.memory_space<vmem>> -> memref<1x200x64xf32, #tpu.memory_space<vmem>>
        %get3A_579 = tpu.memref_squeeze %get3A_578 : memref<1x200x64xf32, #tpu.memory_space<vmem>> -> memref<200x64xf32, #tpu.memory_space<vmem>>
        %get3A_580 = arith.index_cast %add3A_566 : i32 to index
        %get3A_581 = arith.constant 16 : index
        %get3A_582 = tpu.vector_load %get3A_579[%get3A_580, %get3A_581] {strides = array<i32>} : memref<200x64xf32, #tpu.memory_space<vmem>>, vector<1x16xf32>,
        %get3A_583 = vector.shape_cast %get3A_582 : vector<1x16xf32> to vector<16xf32>
        %add3A_584 = arith.addf %add3A_544, %get3A_583 : vector<16xf32>
        %get3A_585 = arith.constant 0 : i32
        %get3A_586 = arith.constant 0 : i32
        %get3A_587 = tpu.memref_slice %arg7[%scan3A_484, %get3A_585, %get3A_586] : memref<4x200x64xf32, #tpu.memory_space<vmem>> -> memref<1x200x64xf32, #tpu.memory_space<vmem>>
        %get3A_588 = tpu.memref_squeeze %get3A_587 : memref<1x200x64xf32, #tpu.memory_space<vmem>> -> memref<200x64xf32, #tpu.memory_space<vmem>>
        %get3A_589 = arith.index_cast %add3A_566 : i32 to index
        %get3A_590 = arith.constant 32 : index
        %get3A_591 = tpu.vector_load %get3A_588[%get3A_589, %get3A_590] {strides = array<i32>} : memref<200x64xf32, #tpu.memory_space<vmem>>, vector<1x16xf32>,
        %get3A_592 = vector.shape_cast %get3A_591 : vector<1x16xf32> to vector<16xf32>
        %add3A_593 = arith.addf %add3A_553, %get3A_592 : vector<16xf32>
        %get3A_594 = arith.constant 0 : i32
        %get3A_595 = arith.constant 0 : i32
        %get3A_596 = tpu.memref_slice %arg7[%scan3A_484, %get3A_594, %get3A_595] : memref<4x200x64xf32, #tpu.memory_space<vmem>> -> memref<1x200x64xf32, #tpu.memory_space<vmem>>
        %get3A_597 = tpu.memref_squeeze %get3A_596 : memref<1x200x64xf32, #tpu.memory_space<vmem>> -> memref<200x64xf32, #tpu.memory_space<vmem>>
        %get3A_598 = arith.index_cast %add3A_566 : i32 to index
        %get3A_599 = arith.constant 48 : index
        %get3A_600 = tpu.vector_load %get3A_597[%get3A_598, %get3A_599] {strides = array<i32>} : memref<200x64xf32, #tpu.memory_space<vmem>>, vector<1x16xf32>,
        %get3A_601 = vector.shape_cast %get3A_600 : vector<1x16xf32> to vector<16xf32>
        %add3A_602 = arith.addf %add3A_562, %get3A_601 : vector<16xf32>
        %mul3A_603 = arith.constant 4 : i32
        %mul3A_604 = arith.muli %scan3A_519, %mul3A_603 : i32
        %add3A_605 = arith.constant 2 : i32
        %add3A_606 = arith.addi %mul3A_604, %add3A_605 : i32
        %get3A_607 = arith.constant 0 : i32
        %get3A_608 = arith.constant 0 : i32
        %get3A_609 = tpu.memref_slice %arg7[%scan3A_484, %get3A_607, %get3A_608] : memref<4x200x64xf32, #tpu.memory_space<vmem>> -> memref<1x200x64xf32, #tpu.memory_space<vmem>>
        %get3A_610 = tpu.memref_squeeze %get3A_609 : memref<1x200x64xf32, #tpu.memory_space<vmem>> -> memref<200x64xf32, #tpu.memory_space<vmem>>
        %get3A_611 = arith.index_cast %add3A_606 : i32 to index
        %get3A_612 = arith.constant 0 : index
        %get3A_613 = tpu.vector_load %get3A_610[%get3A_611, %get3A_612] {strides = array<i32>} : memref<200x64xf32, #tpu.memory_space<vmem>>, vector<1x16xf32>,
        %get3A_614 = vector.shape_cast %get3A_613 : vector<1x16xf32> to vector<16xf32>
        %add3A_615 = arith.addf %add3A_575, %get3A_614 : vector<16xf32>
        %get3A_616 = arith.constant 0 : i32
        %get3A_617 = arith.constant 0 : i32
        %get3A_618 = tpu.memref_slice %arg7[%scan3A_484, %get3A_616, %get3A_617] : memref<4x200x64xf32, #tpu.memory_space<vmem>> -> memref<1x200x64xf32, #tpu.memory_space<vmem>>
        %get3A_619 = tpu.memref_squeeze %get3A_618 : memref<1x200x64xf32, #tpu.memory_space<vmem>> -> memref<200x64xf32, #tpu.memory_space<vmem>>
        %get3A_620 = arith.index_cast %add3A_606 : i32 to index
        %get3A_621 = arith.constant 16 : index
        %get3A_622 = tpu.vector_load %get3A_619[%get3A_620, %get3A_621] {strides = array<i32>} : memref<200x64xf32, #tpu.memory_space<vmem>>, vector<1x16xf32>,
        %get3A_623 = vector.shape_cast %get3A_622 : vector<1x16xf32> to vector<16xf32>
        %add3A_624 = arith.addf %add3A_584, %get3A_623 : vector<16xf32>
        %get3A_625 = arith.constant 0 : i32
        %get3A_626 = arith.constant 0 : i32
        %get3A_627 = tpu.memref_slice %arg7[%scan3A_484, %get3A_625, %get3A_626] : memref<4x200x64xf32, #tpu.memory_space<vmem>> -> memref<1x200x64xf32, #tpu.memory_space<vmem>>
        %get3A_628 = tpu.memref_squeeze %get3A_627 : memref<1x200x64xf32, #tpu.memory_space<vmem>> -> memref<200x64xf32, #tpu.memory_space<vmem>>
        %get3A_629 = arith.index_cast %add3A_606 : i32 to index
        %get3A_630 = arith.constant 32 : index
        %get3A_631 = tpu.vector_load %get3A_628[%get3A_629, %get3A_630] {strides = array<i32>} : memref<200x64xf32, #tpu.memory_space<vmem>>, vector<1x16xf32>,
        %get3A_632 = vector.shape_cast %get3A_631 : vector<1x16xf32> to vector<16xf32>
        %add3A_633 = arith.addf %add3A_593, %get3A_632 : vector<16xf32>
        %get3A_634 = arith.constant 0 : i32
        %get3A_635 = arith.constant 0 : i32
        %get3A_636 = tpu.memref_slice %arg7[%scan3A_484, %get3A_634, %get3A_635] : memref<4x200x64xf32, #tpu.memory_space<vmem>> -> memref<1x200x64xf32, #tpu.memory_space<vmem>>
        %get3A_637 = tpu.memref_squeeze %get3A_636 : memref<1x200x64xf32, #tpu.memory_space<vmem>> -> memref<200x64xf32, #tpu.memory_space<vmem>>
        %get3A_638 = arith.index_cast %add3A_606 : i32 to index
        %get3A_639 = arith.constant 48 : index
        %get3A_640 = tpu.vector_load %get3A_637[%get3A_638, %get3A_639] {strides = array<i32>} : memref<200x64xf32, #tpu.memory_space<vmem>>, vector<1x16xf32>,
        %get3A_641 = vector.shape_cast %get3A_640 : vector<1x16xf32> to vector<16xf32>
        %add3A_642 = arith.addf %add3A_602, %get3A_641 : vector<16xf32>
        %mul3A_643 = arith.constant 4 : i32
        %mul3A_644 = arith.muli %scan3A_519, %mul3A_643 : i32
        %add3A_645 = arith.constant 3 : i32
        %add3A_646 = arith.addi %mul3A_644, %add3A_645 : i32
        %get3A_647 = arith.constant 0 : i32
        %get3A_648 = arith.constant 0 : i32
        %get3A_649 = tpu.memref_slice %arg7[%scan3A_484, %get3A_647, %get3A_648] : memref<4x200x64xf32, #tpu.memory_space<vmem>> -> memref<1x200x64xf32, #tpu.memory_space<vmem>>
        %get3A_650 = tpu.memref_squeeze %get3A_649 : memref<1x200x64xf32, #tpu.memory_space<vmem>> -> memref<200x64xf32, #tpu.memory_space<vmem>>
        %get3A_651 = arith.index_cast %add3A_646 : i32 to index
        %get3A_652 = arith.constant 0 : index
        %get3A_653 = tpu.vector_load %get3A_650[%get3A_651, %get3A_652] {strides = array<i32>} : memref<200x64xf32, #tpu.memory_space<vmem>>, vector<1x16xf32>,
        %get3A_654 = vector.shape_cast %get3A_653 : vector<1x16xf32> to vector<16xf32>
        %add3A_655 = arith.addf %add3A_615, %get3A_654 : vector<16xf32>
        %get3A_656 = arith.constant 0 : i32
        %get3A_657 = arith.constant 0 : i32
        %get3A_658 = tpu.memref_slice %arg7[%scan3A_484, %get3A_656, %get3A_657] : memref<4x200x64xf32, #tpu.memory_space<vmem>> -> memref<1x200x64xf32, #tpu.memory_space<vmem>>
        %get3A_659 = tpu.memref_squeeze %get3A_658 : memref<1x200x64xf32, #tpu.memory_space<vmem>> -> memref<200x64xf32, #tpu.memory_space<vmem>>
        %get3A_660 = arith.index_cast %add3A_646 : i32 to index
        %get3A_661 = arith.constant 16 : index
        %get3A_662 = tpu.vector_load %get3A_659[%get3A_660, %get3A_661] {strides = array<i32>} : memref<200x64xf32, #tpu.memory_space<vmem>>, vector<1x16xf32>,
        %get3A_663 = vector.shape_cast %get3A_662 : vector<1x16xf32> to vector<16xf32>
        %add3A_664 = arith.addf %add3A_624, %get3A_663 : vector<16xf32>
        %get3A_665 = arith.constant 0 : i32
        %get3A_666 = arith.constant 0 : i32
        %get3A_667 = tpu.memref_slice %arg7[%scan3A_484, %get3A_665, %get3A_666] : memref<4x200x64xf32, #tpu.memory_space<vmem>> -> memref<1x200x64xf32, #tpu.memory_space<vmem>>
        %get3A_668 = tpu.memref_squeeze %get3A_667 : memref<1x200x64xf32, #tpu.memory_space<vmem>> -> memref<200x64xf32, #tpu.memory_space<vmem>>
        %get3A_669 = arith.index_cast %add3A_646 : i32 to index
        %get3A_670 = arith.constant 32 : index
        %get3A_671 = tpu.vector_load %get3A_668[%get3A_669, %get3A_670] {strides = array<i32>} : memref<200x64xf32, #tpu.memory_space<vmem>>, vector<1x16xf32>,
        %get3A_672 = vector.shape_cast %get3A_671 : vector<1x16xf32> to vector<16xf32>
        %add3A_673 = arith.addf %add3A_633, %get3A_672 : vector<16xf32>
        %get3A_674 = arith.constant 0 : i32
        %get3A_675 = arith.constant 0 : i32
        %get3A_676 = tpu.memref_slice %arg7[%scan3A_484, %get3A_674, %get3A_675] : memref<4x200x64xf32, #tpu.memory_space<vmem>> -> memref<1x200x64xf32, #tpu.memory_space<vmem>>
        %get3A_677 = tpu.memref_squeeze %get3A_676 : memref<1x200x64xf32, #tpu.memory_space<vmem>> -> memref<200x64xf32, #tpu.memory_space<vmem>>
        %get3A_678 = arith.index_cast %add3A_646 : i32 to index
        %get3A_679 = arith.constant 48 : index
        %get3A_680 = tpu.vector_load %get3A_677[%get3A_678, %get3A_679] {strides = array<i32>} : memref<200x64xf32, #tpu.memory_space<vmem>>, vector<1x16xf32>,
        %get3A_681 = vector.shape_cast %get3A_680 : vector<1x16xf32> to vector<16xf32>
        %add3A_682 = arith.addf %add3A_642, %get3A_681 : vector<16xf32>
        scf.yield %add3A_655, %add3A_664, %add3A_673, %add3A_682 : vector<16xf32>, vector<16xf32>, vector<16xf32>, vector<16xf32>
      }
      %scan3A_490 = arith.constant 50 : i32
      %mul3A_491 = vector.broadcast %scan3A : f32 to vector<16xf32>
      %mul3A_492 = arith.mulf %scan3A_489#0, %mul3A_491 : vector<16xf32>
      %swap3A_493 = arith.index_cast %add3A_430 : i32 to index
      %swap3A_494 = arith.constant 0 : index
      %swap3A_495 = tpu.vector_load %arg8[%swap3A_493, %swap3A_494] {strides = array<i32>} : memref<256x64xf32, #tpu.memory_space<vmem>>, vector<1x16xf32>,
      %swap3A_496 = vector.shape_cast %swap3A_495 : vector<1x16xf32> to vector<16xf32>
      %swap3A_497 = vector.shape_cast %mul3A_492 : vector<16xf32> to vector<1x16xf32>
      tpu.vector_store %arg8[%swap3A_493, %swap3A_494], %swap3A_497 {strides = array<i32>} : memref<256x64xf32, #tpu.memory_space<vmem>>, vector<1x16xf32>,
      %mul3A_498 = vector.broadcast %scan3A : f32 to vector<16xf32>
      %mul3A_499 = arith.mulf %scan3A_489#1, %mul3A_498 : vector<16xf32>
      %swap3A_500 = arith.index_cast %add3A_430 : i32 to index
      %swap3A_501 = arith.constant 16 : index
      %swap3A_502 = tpu.vector_load %arg8[%swap3A_500, %swap3A_501] {strides = array<i32>} : memref<256x64xf32, #tpu.memory_space<vmem>>, vector<1x16xf32>,
      %swap3A_503 = vector.shape_cast %swap3A_502 : vector<1x16xf32> to vector<16xf32>
      %swap3A_504 = vector.shape_cast %mul3A_499 : vector<16xf32> to vector<1x16xf32>
      tpu.vector_store %arg8[%swap3A_500, %swap3A_501], %swap3A_504 {strides = array<i32>} : memref<256x64xf32, #tpu.memory_space<vmem>>, vector<1x16xf32>,
      %mul3A_505 = vector.broadcast %scan3A : f32 to vector<16xf32>
      %mul3A_506 = arith.mulf %scan3A_489#2, %mul3A_505 : vector<16xf32>
      %swap3A_507 = arith.index_cast %add3A_430 : i32 to index
      %swap3A_508 = arith.constant 32 : index
      %swap3A_509 = tpu.vector_load %arg8[%swap3A_507, %swap3A_508] {strides = array<i32>} : memref<256x64xf32, #tpu.memory_space<vmem>>, vector<1x16xf32>,
      %swap3A_510 = vector.shape_cast %swap3A_509 : vector<1x16xf32> to vector<16xf32>
      %swap3A_511 = vector.shape_cast %mul3A_506 : vector<16xf32> to vector<1x16xf32>
      tpu.vector_store %arg8[%swap3A_507, %swap3A_508], %swap3A_511 {strides = array<i32>} : memref<256x64xf32, #tpu.memory_space<vmem>>, vector<1x16xf32>,
      %mul3A_512 = vector.broadcast %scan3A : f32 to vector<16xf32>
      %mul3A_513 = arith.mulf %scan3A_489#3, %mul3A_512 : vector<16xf32>
      %swap3A_514 = arith.index_cast %add3A_430 : i32 to index
      %swap3A_515 = arith.constant 48 : index
      %swap3A_516 = tpu.vector_load %arg8[%swap3A_514, %swap3A_515] {strides = array<i32>} : memref<256x64xf32, #tpu.memory_space<vmem>>, vector<1x16xf32>,
      %swap3A_517 = vector.shape_cast %swap3A_516 : vector<1x16xf32> to vector<16xf32>
      %swap3A_518 = vector.shape_cast %mul3A_513 : vector<16xf32> to vector<1x16xf32>
      tpu.vector_store %arg8[%swap3A_514, %swap3A_515], %swap3A_518 {strides = array<i32>} : memref<256x64xf32, #tpu.memory_space<vmem>>, vector<1x16xf32>,
    }
    %scan3A_156 = arith.constant 64 : i32
    "tpu.region"() ({
      %run_scoped3A = tpu.sem_alloc : memref<!tpu.dma_semaphore, #tpu.memory_space<semaphore_mem>>
      %dma_start3A_157 = arith.constant 0 : i32
      %dma_start3A_158 = tpu.memref_slice %arg5[%mul3A_2, %dma_start3A_157] : memref<8192x64xf32, #tpu.memory_space<hbm>> -> memref<256x64xf32, #tpu.memory_space<hbm>>
      %dma_start3A_159 = arith.constant 0 : i32
      %dma_start3A_160 = tpu.memref_slice %arg5[%mul3A_2, %dma_start3A_159] : memref<8192x64xf32, #tpu.memory_space<hbm>> -> memref<256x64xf32, #tpu.memory_space<hbm>>
      tpu.enqueue_dma source(%arg8 : memref<256x64xf32, #tpu.memory_space<vmem>>) target(%dma_start3A_160 : memref<256x64xf32, #tpu.memory_space<hbm>>) target_semaphore(%run_scoped3A : memref<!tpu.dma_semaphore, #tpu.memory_space<semaphore_mem>>)
      %dma_wait3A = arith.constant 0 : i32
      %dma_wait3A_161 = tpu.memref_slice %arg5[%mul3A_2, %dma_wait3A] : memref<8192x64xf32, #tpu.memory_space<hbm>> -> memref<256x64xf32, #tpu.memory_space<hbm>>
      %dma_wait3A_162 = arith.constant 0 : i32
      %dma_wait3A_163 = tpu.memref_slice %arg5[%mul3A_2, %dma_wait3A_162] : memref<8192x64xf32, #tpu.memory_space<hbm>> -> memref<256x64xf32, #tpu.memory_space<hbm>>
      tpu.wait_dma2 semaphore(%run_scoped3A : memref<!tpu.dma_semaphore, #tpu.memory_space<semaphore_mem>>) src(%arg8 : memref<256x64xf32, #tpu.memory_space<vmem>>) dst(%dma_wait3A_163 : memref<256x64xf32, #tpu.memory_space<hbm>>)
      tpu.yield
    }) : () -> ()
    return
  }
}

module attributes {stable_mosaic.version = 14 : i64} {
  func.func @head(%arg0: i32, %arg1: memref<512x64xf32, #tpu.memory_space<vmem>>, %arg2: memref<512x64xf32, #tpu.memory_space<vmem>>, %arg3: memref<256x64xf32, #tpu.memory_space<vmem>>, %arg4: memref<256x64xf32, #tpu.memory_space<vmem>>, %arg5: memref<1x256xf32, #tpu.memory_space<vmem>>, %arg6: memref<128x256xf32, #tpu.memory_space<vmem>>, %arg7: memref<1x128xf32, #tpu.memory_space<vmem>>, %arg8: memref<512x128xf32, #tpu.memory_space<vmem>>) attributes {dimension_semantics = [#tpu.dimension_semantics<arbitrary>], iteration_bounds = array<i64: 8>, scalar_prefetch = 0 : i64, scratch_operands = 0 : i64, tpu.core_type = #tpu.core_type<tc>, window_params = [{transform_indices = @transform_0, window_bounds = array<i64: 512, 64>}, {transform_indices = @transform_1, window_bounds = array<i64: 512, 64>}, {pipeline_mode = #tpu.pipeline_mode<synchronous>, transform_indices = @transform_2, window_bounds = array<i64: 256, 64>}, {pipeline_mode = #tpu.pipeline_mode<synchronous>, transform_indices = @transform_3, window_bounds = array<i64: 256, 64>}, {pipeline_mode = #tpu.pipeline_mode<synchronous>, transform_indices = @transform_4, window_bounds = array<i64: 1, 256>}, {pipeline_mode = #tpu.pipeline_mode<synchronous>, transform_indices = @transform_5, window_bounds = array<i64: 128, 256>}, {pipeline_mode = #tpu.pipeline_mode<synchronous>, transform_indices = @transform_6, window_bounds = array<i64: 1, 128>}, {transform_indices = @transform_7, window_bounds = array<i64: 512, 128>}]} {
    %get3A = arith.constant 0 : index
    %get3A_0 = arith.constant 0 : index
    %get3A_1 = vector.load %arg1[%get3A, %get3A_0] : memref<512x64xf32, #tpu.memory_space<vmem>>, vector<512x64xf32>
    %get3A_2 = arith.constant 0 : index
    %get3A_3 = arith.constant 0 : index
    %get3A_4 = vector.load %arg3[%get3A_2, %get3A_3] : memref<256x64xf32, #tpu.memory_space<vmem>>, vector<256x64xf32>
    %dot_general3A = arith.constant dense<0.000000e+00> : vector<512x256xf32>
    %dot_general3A_5 = tpu.matmul %get3A_1, %get3A_4, %dot_general3A {dimension_numbers = #tpu.dot_dimension_numbers<[1], [1], [0], [0], [0, 0, 1, 0], [], []>, transpose_lhs_hint = false} : vector<512x64xf32>, vector<256x64xf32>, vector<512x256xf32> -> vector<512x256xf32>
    %get3A_6 = arith.constant 0 : index
    %get3A_7 = arith.constant 0 : index
    %get3A_8 = vector.load %arg2[%get3A_6, %get3A_7] : memref<512x64xf32, #tpu.memory_space<vmem>>, vector<512x64xf32>
    %get3A_9 = arith.constant 0 : index
    %get3A_10 = arith.constant 0 : index
    %get3A_11 = vector.load %arg4[%get3A_9, %get3A_10] : memref<256x64xf32, #tpu.memory_space<vmem>>, vector<256x64xf32>
    %dot_general3A_12 = arith.constant dense<0.000000e+00> : vector<512x256xf32>
    %dot_general3A_13 = tpu.matmul %get3A_8, %get3A_11, %dot_general3A_12 {dimension_numbers = #tpu.dot_dimension_numbers<[1], [1], [0], [0], [0, 0, 1, 0], [], []>, transpose_lhs_hint = false} : vector<512x64xf32>, vector<256x64xf32>, vector<512x256xf32> -> vector<512x256xf32>
    %add3A = arith.addf %dot_general3A_5, %dot_general3A_13 : vector<512x256xf32>
    %get3A_14 = arith.constant 0 : index
    %get3A_15 = arith.constant 0 : index
    %get3A_16 = vector.load %arg5[%get3A_14, %get3A_15] : memref<1x256xf32, #tpu.memory_space<vmem>>, vector<1x256xf32>
    %add3A_17 = vector.broadcast %get3A_16 : vector<1x256xf32> to vector<512x256xf32>
    %add3A_18 = arith.addf %add3A, %add3A_17 : vector<512x256xf32>
    %max3A = arith.constant 0.000000e+00 : f32
    %max3A_19 = vector.broadcast %max3A : f32 to vector<512x256xf32>
    %max3A_20 = arith.maximumf %add3A_18, %max3A_19 : vector<512x256xf32>
    %get3A_21 = arith.constant 0 : index
    %get3A_22 = arith.constant 0 : index
    %get3A_23 = vector.load %arg6[%get3A_21, %get3A_22] : memref<128x256xf32, #tpu.memory_space<vmem>>, vector<128x256xf32>
    %dot_general3A_24 = arith.constant dense<0.000000e+00> : vector<512x128xf32>
    %dot_general3A_25 = tpu.matmul %max3A_20, %get3A_23, %dot_general3A_24 {dimension_numbers = #tpu.dot_dimension_numbers<[1], [1], [0], [0], [0, 0, 1, 0], [], []>, transpose_lhs_hint = false} : vector<512x256xf32>, vector<128x256xf32>, vector<512x128xf32> -> vector<512x128xf32>
    %get3A_26 = arith.constant 0 : index
    %get3A_27 = arith.constant 0 : index
    %get3A_28 = vector.load %arg7[%get3A_26, %get3A_27] : memref<1x128xf32, #tpu.memory_space<vmem>>, vector<1x128xf32>
    %add3A_29 = vector.broadcast %get3A_28 : vector<1x128xf32> to vector<512x128xf32>
    %add3A_30 = arith.addf %dot_general3A_25, %add3A_29 : vector<512x128xf32>
    %swap3A = arith.constant 0 : index
    %swap3A_31 = arith.constant 0 : index
    %swap3A_32 = vector.load %arg8[%swap3A, %swap3A_31] : memref<512x128xf32, #tpu.memory_space<vmem>>, vector<512x128xf32>
    tpu.vector_store %arg8[%swap3A, %swap3A_31], %add3A_30 {strides = array<i32>} : memref<512x128xf32, #tpu.memory_space<vmem>>, vector<512x128xf32>,
    return
  }
  func.func @transform_0(%arg0: i32) -> (i32, i32) {
    %c0_i32 = arith.constant 0 : i32
    %c0_i32_0 = arith.constant 0 : i32
    return %arg0, %c0_i32 : i32, i32
  }
  func.func @transform_1(%arg0: i32) -> (i32, i32) {
    %add3A = arith.constant 8 : i32
    %add3A_0 = arith.addi %arg0, %add3A : i32
    %c0_i32 = arith.constant 0 : i32
    %c0_i32_1 = arith.constant 0 : i32
    return %add3A_0, %c0_i32 : i32, i32
  }
  func.func @transform_2(%arg0: i32) -> (i32, i32) {
    %c0_i32 = arith.constant 0 : i32
    %c0_i32_0 = arith.constant 0 : i32
    %c0_i32_1 = arith.constant 0 : i32
    return %c0_i32, %c0_i32_0 : i32, i32
  }
  func.func @transform_3(%arg0: i32) -> (i32, i32) {
    %c0_i32 = arith.constant 0 : i32
    %c0_i32_0 = arith.constant 0 : i32
    %c0_i32_1 = arith.constant 0 : i32
    return %c0_i32, %c0_i32_0 : i32, i32
  }
  func.func @transform_4(%arg0: i32) -> (i32, i32) {
    %c0_i32 = arith.constant 0 : i32
    %c0_i32_0 = arith.constant 0 : i32
    %c0_i32_1 = arith.constant 0 : i32
    return %c0_i32, %c0_i32_0 : i32, i32
  }
  func.func @transform_5(%arg0: i32) -> (i32, i32) {
    %c0_i32 = arith.constant 0 : i32
    %c0_i32_0 = arith.constant 0 : i32
    %c0_i32_1 = arith.constant 0 : i32
    return %c0_i32, %c0_i32_0 : i32, i32
  }
  func.func @transform_6(%arg0: i32) -> (i32, i32) {
    %c0_i32 = arith.constant 0 : i32
    %c0_i32_0 = arith.constant 0 : i32
    %c0_i32_1 = arith.constant 0 : i32
    return %c0_i32, %c0_i32_0 : i32, i32
  }
  func.func @transform_7(%arg0: i32) -> (i32, i32) {
    %c0_i32 = arith.constant 0 : i32
    %c0_i32_0 = arith.constant 0 : i32
    return %arg0, %c0_i32 : i32, i32
  }
}

</mosaic_0001>

<sc_bundles>
// kernel: kernel.4.cloned.1.call-start
scs
__scs_entry_jumppad:
0x0: {  	(pc) =	sbr.rel $0x88, $3  }
0x1: {  	(tag) =	ssettag $0x0;
	lr =	simm.s32 $0x1  }
0x2: {  	[smem:$0x3F9A] =	sst lr;
	_ =	strace $0xD0000000  }
0x3: {  	_ = 	snop  }
0x4: {  	_ = 	snop  }
0x5: {  	_ = 	snop  }
0x6: {  	_ = 	snop  }
0x7: {  	_ = 	snop  }
__scs_overlays_trampoline_lowered:
0x8: {  	[smem:$0x3FA9] =	sst s0  }
0x9: {  	[smem:$0x3FAA] =	sst s1  }
0xa: {  	[smem:$0x3FAB] =	sst s2  }
0xb: {  	[smem:$0x3FAC] =	sst s3  }
0xc: {  	[smem:$0x3FAD] =	sst s4  }
0xd: {  	[smem:$0x3FAE] =	sst s5  }
0xe: {  	[smem:$0x3FAF] =	sst s6  }
0xf: {  	[smem:$0x3FB0] =	sst s7  }
0x10: {  	[smem:$0x3FB1] =	sst s8  }
0x11: {  	[smem:$0x3FB2] =	sst s9;
	s0 =	simm.s32 @!p0 $0x0  }
0x12: {  	s1 =	sld [smem:$0x3F98];
	s0 =	simm.s32 @p0 $0x1  }
0x13: {  	[smem:$0x3FB3] =	sst s0;
	s0 =	simm.s32 @!p1 $0x0  }
0x14: {  	s2 =	sld [smem:$0x3F97];
	s0 =	simm.s32 @p1 $0x1  }
0x15: {  	[smem:$0x3FB4] =	sst s0;
	s0 =	simm.s32 @!p2 $0x0  }
0x16: {  	s3 =	sld [smem:$0x3FDB];
	s0 =	simm.s32 @p2 $0x1  }
0x17: {  	s4 =	simm.s32 $0x1BF5;
	[smem:$0x3FB6] =	sst s0  }
0x18: {  	s0 =	sld [smem:$0x3F99];
	_ =	swait.ge [sflag:s4], $0x0  }
0x19: {  	s7 =	sld [smem:$0x3F9A]  }
0x1a: {  	s8 =	sadd.s32 $0xFFFFE003, lr  }
0x1b: {  	s9 =	sadd.s32 $0xFFFFFEF7, lr;
	s5 =	simm.s32 $0xFFFFFFFF;
	p2 =	slt.u32 s8, $0xFFFFF086  }
0x1c: {  	p1 =	slt.u32 s9, $0xF7A;
	s5 =	simm.s32 @!p2 $0x0  }
0x1d: {  	s5 =	simm.s32 @p1 $0x1;
	p0 =	seq.s32 s7, s2  }
0x1e: {  	s7 =	smul.u32 @!p0 $0xF7A, s2;
	p2 =	seq.s32 @!p0 s5, $0x0  }
0x1f: {  	s9 =	smul.u32 $0xF7A, s1;
	s8 =	simm.s32 @!p0 $0x1BF5;
	p2 =	por !p2, p0  }
0x20: {  	[sflag:s8] =	ssyncset.s32 @!p0 $0xFFFFF086;
	s6 =	sadd.s32 @!p0 s3, s7;
	s7 =	simm.s32 @!p0 $0x108  }
0x21: {  	s3 =	sadd.s32 s3, s9;
	s6 =	sadd.s32 @!p0 $0x88, s6;
	s7 =	simm.s32 @p2 $0x1082  }
0x22: {  	[simem:s7], [sflag:s8] =	dma.local @!p0 [hbm:s6], $0xF7A  }
0x23: {  	s9 =	sor.u32 $0xD0000000, s2;
	s6 =	simm.s32 $0x108;
	_ =	swait.ge @!p0 [sflag:s8], $0x0  }
0x24: {  	s3 =	sadd.s32 $0x88, s3;
	s6 =	simm.s32 @!p1 $0x1082;
	[sflag:s4] =	ssyncset.s32 $0xFFFFF086  }
0x25: {  	[simem:s6], [sflag:s4] =	dma.local [hbm:s3], $0xF7A  }
0x26: {  	[smem:$0x3F9A] =	sst s1;
	(tag) =	ssettag s2;
	_ =	strace s9  }
0x27: {  	s1 =	sld [smem:$0x3FAA]  }
0x28: {  	s2 =	sld [smem:$0x3FAB]  }
0x29: {  	s4 =	sld [smem:$0x3FAD]  }
0x2a: {  	p0 =	seq.s32 s5, $0x0;
	s5 =	sld [smem:$0x3FAE]  }
0x2b: {  	s6 =	sld [smem:$0x3FAF]  }
0x2c: {  	s7 =	sld [smem:$0x3FB0]  }
0x2d: {  	s3 =	simm.s32 $0x108;
	s8 =	sld [smem:$0x3FB1]  }
0x2e: {  	s3 =	simm.s32 @!p0 $0x1082;
	s9 =	sld [smem:$0x3FB2]  }
0x2f: {  	lr =	sadd.s32 s0, s3;
	s0 =	sld [smem:$0x3FA9]  }
0x30: {  	s3 =	sld [smem:$0x3FAC]  }
0x31: {  	[smem:$0x3FB5] =	sst s10  }
0x32: {  	s10 =	sld [smem:$0x3FB3];
	_ =	sdelay $0x3  }
0x33: {  	p0 =	seq.s32 s10, $0x1;
	s10 =	sld [smem:$0x3FB5];
	_ =	sdelay $0x3  }
0x34: {  	[smem:$0x3FB5] =	sst s10  }
0x35: {  	s10 =	sld [smem:$0x3FB4];
	_ =	sdelay $0x3  }
0x36: {  	p1 =	seq.s32 s10, $0x1;
	s10 =	sld [smem:$0x3FB5];
	_ =	sdelay $0x3  }
0x37: {  	[smem:$0x3FB5] =	sst s10  }
0x38: {  	s10 =	sld [smem:$0x3FB6]  }
0x39: {  	_ = 	snop;
	(pc) =	sbr.ind lr, $3  }
0x3a: {  	_ = 	snop  }
0x3b: {  	_ = 	snop  }
0x3c: {  	p2 =	seq.s32 s10, $0x1;
	s10 =	sld [smem:$0x3FB5]  }
0x3d: {  	_ =	shalt  }
0x3e: {  	_ =	shalt  }
0x3f: {  	_ =	shalt  }
0x40: {  	_ =	shalt  }
0x41: {  	_ =	shalt  }
0x42: {  	_ =	shalt  }
0x43: {  	_ =	shalt  }
0x44: {  	_ =	shalt  }
0x45: {  	_ =	shalt  }
0x46: {  	_ =	shalt  }
0x47: {  	_ =	shalt  }
0x48: {  	_ =	shalt  }
0x49: {  	_ =	shalt  }
0x4a: {  	_ =	shalt  }
0x4b: {  	_ =	shalt  }
0x4c: {  	_ =	shalt  }
0x4d: {  	_ =	shalt  }
0x4e: {  	_ =	shalt  }
0x4f: {  	_ =	shalt  }
0x50: {  	_ =	shalt  }
0x51: {  	_ =	shalt  }
0x52: {  	_ =	shalt  }
0x53: {  	_ =	shalt  }
0x54: {  	_ =	shalt  }
0x55: {  	_ =	shalt  }
0x56: {  	_ =	shalt  }
0x57: {  	_ =	shalt  }
0x58: {  	_ =	shalt  }
0x59: {  	_ =	shalt  }
0x5a: {  	_ =	shalt  }
0x5b: {  	_ =	shalt  }
0x5c: {  	_ =	shalt  }
0x5d: {  	_ =	shalt  }
0x5e: {  	_ =	shalt  }
0x5f: {  	_ =	shalt  }
0x60: {  	_ =	shalt  }
0x61: {  	_ =	shalt  }
0x62: {  	_ =	shalt  }
0x63: {  	_ =	shalt  }
0x64: {  	_ =	shalt  }
0x65: {  	_ =	shalt  }
0x66: {  	_ =	shalt  }
0x67: {  	_ =	shalt  }
0x68: {  	_ =	shalt  }
0x69: {  	_ =	shalt  }
0x6a: {  	_ =	shalt  }
0x6b: {  	_ =	shalt  }
0x6c: {  	_ =	shalt  }
0x6d: {  	_ =	shalt  }
0x6e: {  	_ =	shalt  }
0x6f: {  	_ =	shalt  }
0x70: {  	_ =	shalt  }
0x71: {  	_ =	shalt  }
0x72: {  	_ =	shalt  }
0x73: {  	_ =	shalt  }
0x74: {  	_ =	shalt  }
0x75: {  	_ =	shalt  }
0x76: {  	_ =	shalt  }
0x77: {  	_ =	shalt  }
0x78: {  	_ =	shalt  }
0x79: {  	_ =	shalt  }
0x7a: {  	_ =	shalt  }
0x7b: {  	_ =	shalt  }
0x7c: {  	_ =	shalt  }
0x7d: {  	_ =	shalt  }
0x7e: {  	_ =	shalt  }
0x7f: {  	_ =	shalt  }
0x80: {  	_ =	shalt  }
0x81: {  	_ =	shalt  }
0x82: {  	_ =	shalt  }
0x83: {  	_ =	shalt  }
0x84: {  	_ =	shalt  }
0x85: {  	_ =	shalt  }
0x86: {  	_ =	shalt  }
0x87: {  	_ =	shalt  }
.Lfunc_end0:
.L_simem_size_0:
called_computation_lowered:
.L_overlay_start_0:
0x88: {  	s2 =	sld [smem:$0x3FD9]  }
0x89: {  	s3 =	sld [smem:$0x3FFE];
	_ =	sdelay $0x1  }
0x8a: {  	s1 =	srdreg.scid  }
0x8b: {  	s0 =	sand.u32 $0x1, s1  }
0x8c: {  	s16 =	sshll.u32 s0, $0xA;
	s2 =	sadd.s32 s3, s2  }
0x8d: {  	s2 =	sadd.s32 s2, s16  }
0x8e: {  	[smem:$0x3FC1] =	sst s2  }
0x8f: {  	_ = 	snop  }
0x90: {  	(tm) =	ssettm $0x1  }
0x91: {  	s17 =	sld [smem:$0x3FFB];
	_ =	sdelay $0x3  }
0x92: {  	_ =	strace s17  }
0x93: {  	s2 =	sld [smem:$0x3FFC];
	_ =	sdelay $0x3  }
0x94: {  	_ =	strace s2  }
0x95: {  	s2 =	sld [smem:$0x3FFD];
	_ =	sdelay $0x3  }
0x96: {  	_ =	strace s2  }
0x97: {  	_ =	strace $0x8FFFFFFF  }
0x98: {  	s18 =	sld [smem:$0x3FDB];
	_ =	sdelay $0x1  }
0x99: {  	s19 =	simm.s32 $_scs_section_size  }
0x9a: {  	s4 =	simm.s32 $_size__tile_overlayer_lowered;
	s5 =	simm.s32 $_tile_overlayer_lowered  }
0x9b: {  	s22 =	simm.s32 $0x1BFF;
	s21 =	sshll.u32 s5, $0x1;
	s2 =	sadd.s32 s19, s18  }
0x9c: {  	s6 =	simm.s32 $0x0;
	s20 =	sshll.u32 s4, $0x1;
	s4 =	sadd.s32 s21, s2  }
0x9d: {  	[timem:s6], [sflag:s22] =	dma.local [hbm:s4], s20  }
0x9e: {  	_ =	swait.ge [sflag:s22], s20  }
0x9f: {  	s3 =	ssub.s32 $0x0, s20;
	[sflag:s22] =	ssyncset.done $0x0  }
0xa0: {  	[sflag:s22] =	ssyncadd.s32 s3;
	_ =	sdelay $0x1  }
0xa1: {  	s23 =	simm.s32 $0x1B8B  }
0xa2: {  	_ =	swait.ge [sflag:s23], $0x1  }
0xa3: {  	[sflag:s23] =	ssyncset.done $0x0  }
0xa4: {  	s25 =	simm.s32 $0x1B8E;
	s24 =	sld [smem:$0x3FFE];
	[sflag:s23] =	ssyncadd.s32 $0xFFFFFFFF  }
0xa5: {  	s26 =	simm.s32 $execute0_lowered;
	[smem:$0x3FD2] =	sst s25  }
0xa6: {  	s4 =	sshll.u32 s26, $0x1;
	_ =	strace $0x80000046;
	[dreg:$0x1] =	wrdreg $0xFFFFFFFF  }
0xa7: {  	s28 =	simm.s32 $_size_execute0_lowered;
	s2 =	sadd.s32 s2, s4;
	[dreg:$0x0] =	wrdreg $0x0  }
0xa8: {  	s4 =	sshll.u32 s28, $0x1;
	[dreg:$0x2] =	wrdreg s2  }
0xa9: {  	[dreg:$0x3] =	wrdreg s4  }
0xaa: {  	[dreg:$0x4] =	wrdreg $0xC0  }
0xab: {  	_ =	task [dreg:s6], $0x5FFFF  }
0xac: {  	[dreg:$0x1] =	wrdreg $0xFFFFFFFF  }
0xad: {  	[dreg:$0x0] =	wrdreg $0x60  }
0xae: {  	[dreg:$0x2] =	wrdreg s24  }
0xaf: {  	[dreg:$0x3] =	wrdreg $0x9  }
0xb0: {  	_ =	task.clear_ibuf [dreg:s6], $0x4FFFF;
	_ =	strace $0x90000046  }
0xb1: {  	s29 =	simm.s32 $0x9;
	_ =	strace $0x80000048  }
0xb2: {  	_ =	swait.ge [sflag:s29], $0x1  }
0xb3: {  	[sflag:s29] =	ssyncadd.s32 $0xFFFFFFFF  }
0xb4: {  	_ =	strace $0x90000048  }
0xb5: {  	_ =	sfence  }
0xb6: {  	s30 =	sld [smem:$0x0];
	_ =	sdelay $0x2  }
0xb7: {  	s31 =	sshll.u32 s1, $0xD;
	s1 =	sshrl.u32 s1, $0x2  }
0xb8: {  	s3 =	sand.u32 $0x4000, s31;
	s1 =	sadd.s32 s1, s30  }
0xb9: {  	s0 =	sor.u32 s3, s0;
	s1 =	sshll.u32 s1, $0x11  }
0xba: {  	s0 =	sor.u32 s1, s0  }
0xbb: {  	s0 =	sadd.s32 $0x8F2B, s0  }
0xbc: {  	[sflag:s0] =	ssyncadd.remote.s32 $0x1  }
0xbd: {  	_ =	sfence.sel $0xFFFF  }
0xbe: {  	[dreg:$0x0] =	wrdreg $0xFFFFFFFF;
	(pc) =	sbr.abs _section_cstart, $3  }
0xbf: {  	[dreg:$0x1] =	wrdreg $0xFFFFFFFF  }
0xc0: {  	_ =	task.clear_ibuf [dreg:s6], $0x2FFFF;
	_ =	strace $0x9FFFFFFF  }
0xc1: {  	(tm) =	ssettm $0x7FFFFFFF  }
tec
execute0_lowered:
.L_overlay_start_1:
0x0: {  	(tag) =	ssettag $0x1  }
0x1: {  	s0 =	srdreg.scid  }
0x2: {  	s7 =	stileid.u32;
	s4 =	rddreg [dreg:$0x0];
	s2 =	simm.s32 $0x0  }
0x3: {  	s8 =	simm.s32 $0x30;
	s13 =	simm.s32 $0x38;
	s28 =	simm.s32 $0x13800  }
0x4: {  	s29 =	simm.s32 $0x1F0;
	s30 =	simm.s32 $0x14400;
	s31 =	simm.s32 $0x220  }
0x5: {  	s9 =	simm.s32 $0x15E00;
	s10 =	simm.s32 $0x16A00;
	s11 =	simm.s32 $0x17600  }
0x6: {  	s12 =	simm.s32 $0x18200;
	s14 =	simm.s32 $0x2;
	s15 =	simm.s32 $0x3  }
0x7: {  	s16 =	simm.s32 $0x4;
	s0 =	sand.u32 $0x1, s0;
	s1 =	sshll.u32 s7, $0x1  }
0x8: {  	s17 =	simm.s32 $0x19000;
	s18 =	simm.s32 $0x0;
	s1 =	sor.u32 s0, s1  }
0x9: {  	[smem:$0x7FF] =	sst s2;
	p0 =	slt.u32 s7, $0x8;
	s3 =	smul.u32 $0xC800, s1  }
0xa: {  	s0 =	ssub.s32 $0x2, s0;
	s5 =	smul.u32 $0x1900, s1;
	s1 =	sshll.u32 s1, $0xB  }
0xb: {  	_ =	strace $0x80000047;
	s26 =	sshrl.u32 s0, $0x1;
	s1 =	sadd.s32 s1, s4  }
0xc: {  	s0 =	ssub.s32 s0, s26;
	s3 =	sadd.s32 $0xFFF38000, s3;
	s5 =	sadd.s32 s5, s4  }
0xd: {  	s26 =	simm.s32 $0x1C0;
	s3 =	sshrl.u32 s3, $0x3;
	s7 =	sadd.s32 $0x19E00, s5  }
0xe: {  	s5 =	sadd.s32 $0x32E00, s1;
	s1 =	simm.s32 $0x15000;
	s6 =	sadd.s32 s3, s4  }
0xf: {  	s3 =	sadd.s32 $0xF43200, s4;
	s4 =	sadd.s32 $0xE00, s6;
	s6 =	smax.u32 s0, $0x1  }
0x10: {  	s0 =	simm.s32 $0x1;
	s4 =	smov.u32 @p0 s7;
	s7 =	simm.s32 $0x5  }
.LBB2_1:
0x11: {  	[tilespmem:s2], [sflag:$0x5] =	stream.linear.gather [hbm4b:s4+s2], $0xC800, $0x38;
	[tilespmem:$0x1D000] =	vst v63  }
0x12: {  	_ =	swait.ge [sflag:s7], $0xC800  }
0x13: {  	[sflag:s7] =	ssyncset.done $0x0  }
0x14: {  	s19 =	simm.s32 $0xC800;
	[sflag:s7] =	ssyncadd.s32 $0xFFFF3800  }
0x15: {  	[tilespmem:s19], [sflag:$0x1] =	stream.indirect.gather [hbm4b:s3+s8], $0x40, s2, s8, $0xb8;
	[tilespmem:$0x1D000] =	vst v63  }
0x16: {  	s24 =	simm.s32 $0xD400  }
0x17: {  	[tilespmem:s24], [sflag:$0x1] =	stream.indirect.gather [hbm4b:s3+s8], $0x40, s8, s8, $0xb8;
	[tilespmem:$0x1D000] =	vst v63  }
0x18: {  	s25 =	simm.s32 $0x60;
	s20 =	simm.s32 $0xE000  }
0x19: {  	[tilespmem:s20], [sflag:$0x1] =	stream.indirect.gather [hbm4b:s3+s8], $0x40, s25, s8, $0xb8;
	[tilespmem:$0x1D000] =	vst v63  }
0x1a: {  	s21 =	simm.s32 $0xEC00;
	s20 =	simm.s32 $0x90  }
0x1b: {  	[tilespmem:s21], [sflag:$0x1] =	stream.indirect.gather [hbm4b:s3+s13], $0x40, s20, s13, $0xb8;
	[tilespmem:$0x1D000] =	vst v63  }
0x1c: {  	s22 =	simm.s32 $0xC8;
	s23 =	simm.s32 $0xFA00  }
0x1d: {  	[tilespmem:s23], [sflag:$0x2] =	stream.indirect.gather [hbm4b:s3+s8], $0x40, s22, s8, $0xb8;
	[tilespmem:$0x1D000] =	vst v63  }
0x1e: {  	s24 =	simm.s32 $0xF8;
	s25 =	simm.s32 $0x10600  }
0x1f: {  	[tilespmem:s25], [sflag:$0x2] =	stream.indirect.gather [hbm4b:s3+s8], $0x40, s24, s8, $0xb8;
	[tilespmem:$0x1D000] =	vst v63  }
0x20: {  	s20 =	simm.s32 $0x128;
	s21 =	simm.s32 $0x11200  }
0x21: {  	[tilespmem:s21], [sflag:$0x2] =	stream.indirect.gather [hbm4b:s3+s8], $0x40, s20, s8, $0xb8;
	[tilespmem:$0x1D000] =	vst v63  }
0x22: {  	s22 =	simm.s32 $0x158;
	s23 =	simm.s32 $0x11E00  }
0x23: {  	[tilespmem:s23], [sflag:$0x2] =	stream.indirect.gather [hbm4b:s3+s13], $0x40, s22, s13, $0xb8;
	[tilespmem:$0x1D000] =	vst v63  }
0x24: {  	s24 =	simm.s32 $0x190;
	s25 =	simm.s32 $0x12C00  }
0x25: {  	[tilespmem:s25], [sflag:$0x3] =	stream.indirect.gather [hbm4b:s3+s8], $0x40, s24, s8, $0xb8;
	[tilespmem:$0x1D000] =	vst v63  }
0x26: {  	_ = 	snop  }
0x27: {  	[tilespmem:s28], [sflag:$0x3] =	stream.indirect.gather [hbm4b:s3+s8], $0x40, s26, s8, $0xb8;
	[tilespmem:$0x1D000] =	vst v63  }
0x28: {  	_ = 	snop  }
0x29: {  	[tilespmem:s30], [sflag:$0x3] =	stream.indirect.gather [hbm4b:s3+s8], $0x40, s29, s8, $0xb8;
	[tilespmem:$0x1D000] =	vst v63  }
0x2a: {  	s19 =	simm.s32 $0x0  }
0x2b: {  	[tilespmem:s1], [sflag:$0x3] =	stream.indirect.gather [hbm4b:s3+s13], $0x40, s31, s13, $0xb8;
	[tilespmem:$0x1D000] =	vst v63  }
.LBB2_2:
0x2c: {  	_ =	swait.ge [sflag:s0], $0xC00  }
0x2d: {  	[sflag:s0] =	ssyncset.done $0x0  }
0x2e: {  	[sflag:s0] =	ssyncadd.s32 $0xFFFFF400  }
0x2f: {  	_ =	swait.ge [sflag:s0], $0xC00  }
0x30: {  	[sflag:s0] =	ssyncset.done $0x0  }
0x31: {  	[sflag:s0] =	ssyncadd.s32 $0xFFFFF400  }
0x32: {  	_ =	swait.ge [sflag:s0], $0xC00  }
0x33: {  	[sflag:s0] =	ssyncset.done $0x0  }
0x34: {  	s20 =	sshllo.u32 s19, $0x2;
	[sflag:s0] =	ssyncadd.s32 $0xFFFFF400  }
0x35: {  	s21 =	smul.u32 $0x320, s20;
	_ =	swait.ge [sflag:s0], $0xE00  }
0x36: {  	[sflag:s0] =	ssyncset.done $0x0  }
0x37: {  	s21 =	sshra.s32 s21, $0x2;
	[sflag:s0] =	ssyncadd.s32 $0xFFFFF200  }
0x38: {  	[tilespmem:s9], [sflag:$0x4] =	stream.indirect.gather [hbm4b:s3+s8], $0x40, s21, s8, $0xb8;
	[tilespmem:$0x1D000] =	vst v63  }
0x39: {  	s22 =	sadd.s32 $0x30, s21  }
0x3a: {  	[tilespmem:s10], [sflag:$0x4] =	stream.indirect.gather [hbm4b:s3+s8], $0x40, s22, s8, $0xb8;
	[tilespmem:$0x1D000] =	vst v63  }
0x3b: {  	s25 =	sadd.s32 $0x60, s21  }
0x3c: {  	[tilespmem:s11], [sflag:$0x4] =	stream.indirect.gather [hbm4b:s3+s8], $0x40, s25, s8, $0xb8;
	[tilespmem:$0x1D000] =	vst v63  }
0x3d: {  	s21 =	sadd.s32 $0x90, s21  }
0x3e: {  	[tilespmem:s12], [sflag:$0x4] =	stream.indirect.gather [hbm4b:s3+s13], $0x40, s21, s13, $0xb8;
	[tilespmem:$0x1D000] =	vst v63  }
0x3f: {  	s21 =	simm.s32 $0x0  }
0x40: {  	v0 =	vld [tilespmem:s21+$0xC8C0]  }
0x41: {  	v1 =	vld [tilespmem:s21+$0xC8D0]  }
0x42: {  	v2 =	vld [tilespmem:s21+$0xC880]  }
0x43: {  	v3 =	vld [tilespmem:s21+$0xC890]  }
0x44: {  	v4 =	vld [tilespmem:s21+$0xC840]  }
0x45: {  	v5 =	vld [tilespmem:s21+$0xC850]  }
0x46: {  	v10 =	vld [tilespmem:s21+$0xC800]  }
0x47: {  	v6 =	vimm.f32 $0.0e+00;
	v12 =	vld [tilespmem:s21+$0xC810]  }
0x48: {  	v9 =	vimm.f32 $0.0e+00;
	v8 =	vimm.f32 $0.0e+00;
	v7 =	vimm.f32 $0.0e+00;
	s22 =	simm.s32 $0x400;
	v11 =	vld [tilespmem:s21+$0xC820]  }
.LBB2_3:
0x49: {  	p0 =	sne.s32 s22, $0xC400;
	v13 =	vld [tilespmem:s21+$0xC830]  }
0x4a: {  	v14 =	vld [tilespmem:s21+$0xC860]  }
0x4b: {  	v15 =	vld [tilespmem:s21+$0xC870]  }
0x4c: {  	v16 =	vld [tilespmem:s21+$0xC8A0]  }
0x4d: {  	v6 =	vadd.f32 v10, v6;
	v9 =	vadd.f32 v12, v9;
	v10 =	vld [tilespmem:s21+$0xC8B0]  }
0x4e: {  	v8 =	vadd.f32 v11, v8;
	v7 =	vadd.f32 v13, v7;
	v11 =	vld [tilespmem:s21+$0xC8E0]  }
0x4f: {  	v4 =	vadd.f32 v4, v6;
	v5 =	vadd.f32 v5, v9;
	v12 =	vld [tilespmem:s21+$0xC8F0];
	s21 =	sshra.s32 s22, $0x2  }
0x50: {  	v6 =	vadd.f32 v14, v8;
	v13 =	vld [tilespmem:s21+$0xC8C0];
	v7 =	vadd.f32 v15, v7  }
0x51: {  	v4 =	vadd.f32 v2, v4;
	v5 =	vadd.f32 v3, v5;
	v14 =	vld [tilespmem:s21+$0xC8D0]  }
0x52: {  	v8 =	vadd.f32 v16, v6;
	v2 =	vld [tilespmem:s21+$0xC880];
	v7 =	vadd.f32 v10, v7  }
0x53: {  	v6 =	vadd.f32 v0, v4;
	v9 =	vadd.f32 v1, v5;
	v3 =	vld [tilespmem:s21+$0xC890]  }
.Ltmp0:
0x54: {  	v8 =	vadd.f32 v11, v8;
	v4 =	vld [tilespmem:s21+$0xC840];
	v7 =	vadd.f32 v12, v7;
	(pc) =	sbr.rel @p0 .LBB2_3-.Ltmp0, $4  }
0x55: {  	v5 =	vld [tilespmem:s21+$0xC850];
	v0 =	vmov v13  }
0x56: {  	v10 =	vld [tilespmem:s21+$0xC800];
	v1 =	vmov v14  }
0x57: {  	v12 =	vld [tilespmem:s21+$0xC810]  }
0x58: {  	s22 =	sadd.s32 $0x400, s22;
	v11 =	vld [tilespmem:s21+$0xC820]  }
0x59: {  	v13 =	vld [tilespmem:s21+$0xC830]  }
0x5a: {  	v14 =	vld [tilespmem:s21+$0xC860]  }
0x5b: {  	v15 =	vld [tilespmem:s21+$0xC870];
	v6 =	vadd.f32 v10, v6  }
0x5c: {  	v10 =	vld [tilespmem:s21+$0xC8A0];
	v9 =	vadd.f32 v12, v9  }
0x5d: {  	v12 =	vld [tilespmem:s21+$0xC8B0];
	v8 =	vadd.f32 v11, v8;
	v4 =	vadd.f32 v4, v6  }
0x5e: {  	v6 =	vadd.f32 v13, v7;
	v7 =	vld [tilespmem:s21+$0xC8E0];
	v5 =	vadd.f32 v5, v9  }
0x5f: {  	v9 =	vld [tilespmem:s21+$0xC8F0];
	v8 =	vadd.f32 v14, v8;
	v2 =	vadd.f32 v2, v4  }
0x60: {  	v4 =	vadd.f32 v15, v6;
	v3 =	vadd.f32 v3, v5  }
0x61: {  	v5 =	vadd.f32 v10, v8;
	v0 =	vadd.f32 v0, v2  }
0x62: {  	v2 =	vadd.f32 v12, v4;
	v1 =	vadd.f32 v1, v3  }
0x63: {  	s25 =	sshll.u32 s19, $0x8;
	v3 =	vadd.f32 v7, v5;
	v0 =	vmul.f32 $4.999999890e-03, v0  }
0x64: {  	s22 =	sand.u32 $0x3FFFFF00, s25;
	v2 =	vadd.f32 v9, v2;
	v1 =	vmul.f32 $4.999999890e-03, v1  }
0x65: {  	[tilespmem:s22+$0x19000] =	vst v0;
	v0 =	vmul.f32 $4.999999890e-03, v3  }
0x66: {  	[tilespmem:s22+$0x19010] =	vst v1;
	v1 =	vmul.f32 $4.999999890e-03, v2  }
0x67: {  	[tilespmem:s22+$0x19020] =	vst v0  }
0x68: {  	[tilespmem:s22+$0x19030] =	vst v1  }
0x69: {  	_ =	swait.ge [sflag:s14], $0xC00  }
0x6a: {  	[sflag:s14] =	ssyncset.done $0x0  }
0x6b: {  	[sflag:s14] =	ssyncadd.s32 $0xFFFFF400  }
0x6c: {  	_ =	swait.ge [sflag:s14], $0xC00  }
0x6d: {  	[sflag:s14] =	ssyncset.done $0x0  }
0x6e: {  	[sflag:s14] =	ssyncadd.s32 $0xFFFFF400  }
0x6f: {  	_ =	swait.ge [sflag:s14], $0xC00  }
0x70: {  	p0 =	seq.s32 s19, $0x3F;
	[sflag:s14] =	ssyncset.done $0x0  }
0x71: {  	s21 =	smul.u32 @!p0 $0xC80, s19;
	[sflag:s14] =	ssyncadd.s32 $0xFFFFF400  }
0x72: {  	_ =	swait.ge [sflag:s14], $0xE00  }
0x73: {  	s24 =	simm.s32 @!p0 $0x30;
	s21 =	sshra.s32 @!p0 s21, $0x2;
	[sflag:s14] =	ssyncset.done $0x0  }
0x74: {  	s25 =	simm.s32 @!p0 $0xC800;
	s23 =	sadd.s32 @!p0 $0x320, s21;
	[sflag:s14] =	ssyncadd.s32 $0xFFFFF200  }
0x75: {  	[tilespmem:s25], [sflag:$0x1] =	stream.indirect.gather @!p0 [hbm4b:s3+s24], $0x40, s23, s24, $0xb8;
	[tilespmem:$0x1D000] =	vst v63  }
0x76: {  	s23 =	sadd.s32 @!p0 $0x350, s21;
	s25 =	simm.s32 @!p0 $0xD400  }
0x77: {  	[tilespmem:s25], [sflag:$0x1] =	stream.indirect.gather @!p0 [hbm4b:s3+s24], $0x40, s23, s24, $0xb8;
	[tilespmem:$0x1D000] =	vst v63  }
0x78: {  	s23 =	sadd.s32 @!p0 $0x380, s21;
	s25 =	simm.s32 @!p0 $0xE000  }
0x79: {  	[tilespmem:s25], [sflag:$0x1] =	stream.indirect.gather @!p0 [hbm4b:s3+s24], $0x40, s23, s24, $0xb8;
	[tilespmem:$0x1D000] =	vst v63  }
0x7a: {  	s23 =	sadd.s32 @!p0 $0x3B0, s21;
	s24 =	simm.s32 @!p0 $0x38;
	s25 =	simm.s32 @!p0 $0xEC00  }
0x7b: {  	[tilespmem:s25], [sflag:$0x1] =	stream.indirect.gather @!p0 [hbm4b:s3+s24], $0x40, s23, s24, $0xb8;
	[tilespmem:$0x1D000] =	vst v63  }
0x7c: {  	s23 =	simm.s32 $0x0  }
0x7d: {  	v0 =	vld [tilespmem:s23+$0xFAC0]  }
0x7e: {  	v1 =	vld [tilespmem:s23+$0xFAD0]  }
0x7f: {  	v2 =	vld [tilespmem:s23+$0xFA80]  }
0x80: {  	v3 =	vld [tilespmem:s23+$0xFA90]  }
0x81: {  	v4 =	vld [tilespmem:s23+$0xFA40]  }
0x82: {  	v5 =	vld [tilespmem:s23+$0xFA50]  }
0x83: {  	v10 =	vld [tilespmem:s23+$0xFA00]  }
0x84: {  	v6 =	vimm.f32 $0.0e+00;
	v12 =	vld [tilespmem:s23+$0xFA10]  }
0x85: {  	v8 =	vimm.f32 $0.0e+00;
	v7 =	vimm.f32 $0.0e+00;
	v9 =	vimm.f32 $0.0e+00;
	s24 =	simm.s32 $0x400;
	v11 =	vld [tilespmem:s23+$0xFA20]  }
.LBB2_5:
0x86: {  	p1 =	sne.s32 s24, $0xC400;
	v13 =	vld [tilespmem:s23+$0xFA30]  }
0x87: {  	v14 =	vld [tilespmem:s23+$0xFA60]  }
0x88: {  	v15 =	vld [tilespmem:s23+$0xFA70]  }
0x89: {  	v16 =	vld [tilespmem:s23+$0xFAA0]  }
0x8a: {  	v6 =	vadd.f32 v10, v6;
	v9 =	vadd.f32 v12, v9;
	v10 =	vld [tilespmem:s23+$0xFAB0]  }
0x8b: {  	v8 =	vadd.f32 v11, v8;
	v7 =	vadd.f32 v13, v7;
	v11 =	vld [tilespmem:s23+$0xFAE0]  }
0x8c: {  	v4 =	vadd.f32 v4, v6;
	v5 =	vadd.f32 v5, v9;
	v12 =	vld [tilespmem:s23+$0xFAF0];
	s23 =	sshra.s32 s24, $0x2  }
0x8d: {  	v6 =	vadd.f32 v14, v8;
	v13 =	vld [tilespmem:s23+$0xFAC0];
	v7 =	vadd.f32 v15, v7  }
0x8e: {  	v4 =	vadd.f32 v2, v4;
	v5 =	vadd.f32 v3, v5;
	v14 =	vld [tilespmem:s23+$0xFAD0]  }
0x8f: {  	v8 =	vadd.f32 v16, v6;
	v2 =	vld [tilespmem:s23+$0xFA80];
	v7 =	vadd.f32 v10, v7  }
0x90: {  	v6 =	vadd.f32 v0, v4;
	v9 =	vadd.f32 v1, v5;
	v3 =	vld [tilespmem:s23+$0xFA90]  }
.Ltmp1:
0x91: {  	v8 =	vadd.f32 v11, v8;
	v4 =	vld [tilespmem:s23+$0xFA40];
	v7 =	vadd.f32 v12, v7;
	(pc) =	sbr.rel @p1 .LBB2_5-.Ltmp1, $4  }
0x92: {  	v5 =	vld [tilespmem:s23+$0xFA50];
	v0 =	vmov v13  }
0x93: {  	v10 =	vld [tilespmem:s23+$0xFA00];
	v1 =	vmov v14  }
0x94: {  	v12 =	vld [tilespmem:s23+$0xFA10]  }
0x95: {  	s24 =	sadd.s32 $0x400, s24;
	v11 =	vld [tilespmem:s23+$0xFA20]  }
0x96: {  	v13 =	vld [tilespmem:s23+$0xFA30]  }
0x97: {  	v14 =	vld [tilespmem:s23+$0xFA60]  }
0x98: {  	v15 =	vld [tilespmem:s23+$0xFA70];
	v6 =	vadd.f32 v10, v6  }
0x99: {  	v10 =	vld [tilespmem:s23+$0xFAA0];
	v9 =	vadd.f32 v12, v9  }
0x9a: {  	v12 =	vld [tilespmem:s23+$0xFAB0];
	v8 =	vadd.f32 v11, v8;
	v4 =	vadd.f32 v4, v6  }
0x9b: {  	v6 =	vadd.f32 v13, v7;
	v7 =	vld [tilespmem:s23+$0xFAE0];
	v5 =	vadd.f32 v5, v9  }
0x9c: {  	v9 =	vld [tilespmem:s23+$0xFAF0];
	v8 =	vadd.f32 v14, v8;
	v2 =	vadd.f32 v2, v4  }
0x9d: {  	v4 =	vadd.f32 v15, v6;
	v3 =	vadd.f32 v3, v5  }
0x9e: {  	v5 =	vadd.f32 v10, v8;
	v0 =	vadd.f32 v0, v2  }
0x9f: {  	v2 =	vadd.f32 v12, v4;
	v1 =	vadd.f32 v1, v3  }
0xa0: {  	v3 =	vadd.f32 v7, v5;
	v0 =	vmul.f32 $4.999999890e-03, v0  }
0xa1: {  	v2 =	vadd.f32 v9, v2;
	v1 =	vmul.f32 $4.999999890e-03, v1  }
0xa2: {  	[tilespmem:s22+$0x19040] =	vst v0;
	v0 =	vmul.f32 $4.999999890e-03, v3  }
0xa3: {  	[tilespmem:s22+$0x19050] =	vst v1;
	v1 =	vmul.f32 $4.999999890e-03, v2  }
0xa4: {  	[tilespmem:s22+$0x19060] =	vst v0  }
0xa5: {  	[tilespmem:s22+$0x19070] =	vst v1  }
0xa6: {  	_ =	swait.ge [sflag:s15], $0xC00  }
0xa7: {  	[sflag:s15] =	ssyncset.done $0x0  }
0xa8: {  	[sflag:s15] =	ssyncadd.s32 $0xFFFFF400  }
0xa9: {  	_ =	swait.ge [sflag:s15], $0xC00  }
0xaa: {  	[sflag:s15] =	ssyncset.done $0x0  }
0xab: {  	[sflag:s15] =	ssyncadd.s32 $0xFFFFF400  }
0xac: {  	_ =	swait.ge [sflag:s15], $0xC00  }
0xad: {  	[sflag:s15] =	ssyncset.done $0x0  }
0xae: {  	[sflag:s15] =	ssyncadd.s32 $0xFFFFF400  }
0xaf: {  	_ =	swait.ge [sflag:s15], $0xE00  }
0xb0: {  	s24 =	simm.s32 @!p0 $0x30;
	[sflag:s15] =	ssyncset.done $0x0  }
0xb1: {  	s25 =	simm.s32 @!p0 $0xFA00;
	s23 =	sadd.s32 @!p0 $0x3E8, s21;
	[sflag:s15] =	ssyncadd.s32 $0xFFFFF200  }
0xb2: {  	[tilespmem:s25], [sflag:$0x2] =	stream.indirect.gather @!p0 [hbm4b:s3+s24], $0x40, s23, s24, $0xb8;
	[tilespmem:$0x1D000] =	vst v63  }
0xb3: {  	s23 =	sadd.s32 @!p0 $0x418, s21;
	s25 =	simm.s32 @!p0 $0x10600  }
0xb4: {  	[tilespmem:s25], [sflag:$0x2] =	stream.indirect.gather @!p0 [hbm4b:s3+s24], $0x40, s23, s24, $0xb8;
	[tilespmem:$0x1D000] =	vst v63  }
0xb5: {  	s23 =	sadd.s32 @!p0 $0x448, s21;
	s25 =	simm.s32 @!p0 $0x11200  }
0xb6: {  	[tilespmem:s25], [sflag:$0x2] =	stream.indirect.gather @!p0 [hbm4b:s3+s24], $0x40, s23, s24, $0xb8;
	[tilespmem:$0x1D000] =	vst v63  }
0xb7: {  	s23 =	sadd.s32 @!p0 $0x478, s21;
	s24 =	simm.s32 @!p0 $0x38;
	s25 =	simm.s32 @!p0 $0x11E00  }
0xb8: {  	[tilespmem:s25], [sflag:$0x2] =	stream.indirect.gather @!p0 [hbm4b:s3+s24], $0x40, s23, s24, $0xb8;
	[tilespmem:$0x1D000] =	vst v63  }
0xb9: {  	s23 =	simm.s32 $0x0  }
0xba: {  	v0 =	vld [tilespmem:s23+$0x12CC0]  }
0xbb: {  	v1 =	vld [tilespmem:s23+$0x12CD0]  }
0xbc: {  	v2 =	vld [tilespmem:s23+$0x12C80]  }
0xbd: {  	v3 =	vld [tilespmem:s23+$0x12C90]  }
0xbe: {  	v4 =	vld [tilespmem:s23+$0x12C40]  }
0xbf: {  	v5 =	vld [tilespmem:s23+$0x12C50]  }
0xc0: {  	v10 =	vld [tilespmem:s23+$0x12C00]  }
0xc1: {  	v6 =	vimm.f32 $0.0e+00;
	v12 =	vld [tilespmem:s23+$0x12C10]  }
0xc2: {  	v8 =	vimm.f32 $0.0e+00;
	v7 =	vimm.f32 $0.0e+00;
	v9 =	vimm.f32 $0.0e+00;
	s24 =	simm.s32 $0x400;
	v11 =	vld [tilespmem:s23+$0x12C20]  }
.LBB2_7:
0xc3: {  	p1 =	sne.s32 s24, $0xC400;
	v13 =	vld [tilespmem:s23+$0x12C30]  }
0xc4: {  	v14 =	vld [tilespmem:s23+$0x12C60]  }
0xc5: {  	v15 =	vld [tilespmem:s23+$0x12C70]  }
0xc6: {  	v16 =	vld [tilespmem:s23+$0x12CA0]  }
0xc7: {  	v6 =	vadd.f32 v10, v6;
	v9 =	vadd.f32 v12, v9;
	v10 =	vld [tilespmem:s23+$0x12CB0]  }
0xc8: {  	v8 =	vadd.f32 v11, v8;
	v7 =	vadd.f32 v13, v7;
	v11 =	vld [tilespmem:s23+$0x12CE0]  }
0xc9: {  	v4 =	vadd.f32 v4, v6;
	v5 =	vadd.f32 v5, v9;
	v12 =	vld [tilespmem:s23+$0x12CF0];
	s23 =	sshra.s32 s24, $0x2  }
0xca: {  	v6 =	vadd.f32 v14, v8;
	v13 =	vld [tilespmem:s23+$0x12CC0];
	v7 =	vadd.f32 v15, v7  }
0xcb: {  	v4 =	vadd.f32 v2, v4;
	v5 =	vadd.f32 v3, v5;
	v14 =	vld [tilespmem:s23+$0x12CD0]  }
0xcc: {  	v8 =	vadd.f32 v16, v6;
	v2 =	vld [tilespmem:s23+$0x12C80];
	v7 =	vadd.f32 v10, v7  }
0xcd: {  	v6 =	vadd.f32 v0, v4;
	v9 =	vadd.f32 v1, v5;
	v3 =	vld [tilespmem:s23+$0x12C90]  }
.Ltmp2:
0xce: {  	v8 =	vadd.f32 v11, v8;
	v4 =	vld [tilespmem:s23+$0x12C40];
	v7 =	vadd.f32 v12, v7;
	(pc) =	sbr.rel @p1 .LBB2_7-.Ltmp2, $4  }
0xcf: {  	v5 =	vld [tilespmem:s23+$0x12C50];
	v0 =	vmov v13  }
0xd0: {  	v10 =	vld [tilespmem:s23+$0x12C00];
	v1 =	vmov v14  }
0xd1: {  	v12 =	vld [tilespmem:s23+$0x12C10]  }
0xd2: {  	s24 =	sadd.s32 $0x400, s24;
	v11 =	vld [tilespmem:s23+$0x12C20]  }
0xd3: {  	v13 =	vld [tilespmem:s23+$0x12C30]  }
0xd4: {  	v14 =	vld [tilespmem:s23+$0x12C60]  }
0xd5: {  	v15 =	vld [tilespmem:s23+$0x12C70];
	v6 =	vadd.f32 v10, v6  }
0xd6: {  	v10 =	vld [tilespmem:s23+$0x12CA0];
	v9 =	vadd.f32 v12, v9  }
0xd7: {  	v12 =	vld [tilespmem:s23+$0x12CB0];
	v8 =	vadd.f32 v11, v8;
	v4 =	vadd.f32 v4, v6  }
0xd8: {  	v6 =	vadd.f32 v13, v7;
	v7 =	vld [tilespmem:s23+$0x12CE0];
	v5 =	vadd.f32 v5, v9  }
0xd9: {  	v9 =	vld [tilespmem:s23+$0x12CF0];
	v8 =	vadd.f32 v14, v8;
	v2 =	vadd.f32 v2, v4  }
0xda: {  	v4 =	vadd.f32 v15, v6;
	v3 =	vadd.f32 v3, v5  }
0xdb: {  	v5 =	vadd.f32 v10, v8;
	v0 =	vadd.f32 v0, v2  }
0xdc: {  	v2 =	vadd.f32 v12, v4;
	v1 =	vadd.f32 v1, v3  }
0xdd: {  	v3 =	vadd.f32 v7, v5;
	v0 =	vmul.f32 $4.999999890e-03, v0  }
0xde: {  	v2 =	vadd.f32 v9, v2;
	v1 =	vmul.f32 $4.999999890e-03, v1  }
0xdf: {  	[tilespmem:s22+$0x19080] =	vst v0;
	v0 =	vmul.f32 $4.999999890e-03, v3  }
0xe0: {  	[tilespmem:s22+$0x19090] =	vst v1;
	v1 =	vmul.f32 $4.999999890e-03, v2  }
0xe1: {  	[tilespmem:s22+$0x190A0] =	vst v0  }
0xe2: {  	[tilespmem:s22+$0x190B0] =	vst v1  }
0xe3: {  	_ =	swait.ge [sflag:s16], $0xC00  }
0xe4: {  	[sflag:s16] =	ssyncset.done $0x0  }
0xe5: {  	[sflag:s16] =	ssyncadd.s32 $0xFFFFF400  }
0xe6: {  	_ =	swait.ge [sflag:s16], $0xC00  }
0xe7: {  	[sflag:s16] =	ssyncset.done $0x0  }
0xe8: {  	[sflag:s16] =	ssyncadd.s32 $0xFFFFF400  }
0xe9: {  	_ =	swait.ge [sflag:s16], $0xC00  }
0xea: {  	[sflag:s16] =	ssyncset.done $0x0  }
0xeb: {  	[sflag:s16] =	ssyncadd.s32 $0xFFFFF400  }
0xec: {  	_ =	swait.ge [sflag:s16], $0xE00  }
0xed: {  	s24 =	simm.s32 @!p0 $0x12C00;
	[sflag:s16] =	ssyncset.done $0x0  }
0xee: {  	s23 =	simm.s32 @!p0 $0x30;
	s22 =	sadd.s32 @!p0 $0x4B0, s21;
	[sflag:s16] =	ssyncadd.s32 $0xFFFFF200  }
0xef: {  	[tilespmem:s24], [sflag:$0x3] =	stream.indirect.gather @!p0 [hbm4b:s3+s23], $0x40, s22, s23, $0xb8;
	[tilespmem:$0x1D000] =	vst v63  }
0xf0: {  	s22 =	sadd.s32 @!p0 $0x4E0, s21;
	s24 =	simm.s32 @!p0 $0x13800  }
0xf1: {  	[tilespmem:s24], [sflag:$0x3] =	stream.indirect.gather @!p0 [hbm4b:s3+s23], $0x40, s22, s23, $0xb8;
	[tilespmem:$0x1D000] =	vst v63  }
0xf2: {  	s22 =	sadd.s32 @!p0 $0x510, s21;
	s24 =	simm.s32 @!p0 $0x14400  }
0xf3: {  	[tilespmem:s24], [sflag:$0x3] =	stream.indirect.gather @!p0 [hbm4b:s3+s23], $0x40, s22, s23, $0xb8;
	[tilespmem:$0x1D000] =	vst v63  }
0xf4: {  	s21 =	sadd.s32 @!p0 $0x540, s21;
	s22 =	simm.s32 @!p0 $0x38;
	s23 =	simm.s32 @!p0 $0x15000  }
0xf5: {  	[tilespmem:s23], [sflag:$0x3] =	stream.indirect.gather @!p0 [hbm4b:s3+s22], $0x40, s21, s22, $0xb8;
	[tilespmem:$0x1D000] =	vst v63  }
0xf6: {  	s21 =	simm.s32 $0x0  }
0xf7: {  	v0 =	vld [tilespmem:s21+$0x15EC0]  }
0xf8: {  	v1 =	vld [tilespmem:s21+$0x15ED0]  }
0xf9: {  	v2 =	vld [tilespmem:s21+$0x15E80]  }
0xfa: {  	v3 =	vld [tilespmem:s21+$0x15E90]  }
0xfb: {  	v4 =	vld [tilespmem:s21+$0x15E40]  }
0xfc: {  	v5 =	vld [tilespmem:s21+$0x15E50]  }
0xfd: {  	v10 =	vld [tilespmem:s21+$0x15E00]  }
0xfe: {  	v6 =	vimm.f32 $0.0e+00;
	v12 =	vld [tilespmem:s21+$0x15E10]  }
0xff: {  	v8 =	vimm.f32 $0.0e+00;
	v7 =	vimm.f32 $0.0e+00;
	v9 =	vimm.f32 $0.0e+00;
	s22 =	simm.s32 $0x400;
	v11 =	vld [tilespmem:s21+$0x15E20]  }
.LBB2_9:
0x100: {  	p0 =	sne.s32 s22, $0xC400;
	v13 =	vld [tilespmem:s21+$0x15E30]  }
0x101: {  	v14 =	vld [tilespmem:s21+$0x15E60]  }
0x102: {  	v15 =	vld [tilespmem:s21+$0x15E70]  }
0x103: {  	v16 =	vld [tilespmem:s21+$0x15EA0]  }
0x104: {  	v6 =	vadd.f32 v10, v6;
	v9 =	vadd.f32 v12, v9;
	v10 =	vld [tilespmem:s21+$0x15EB0]  }
0x105: {  	v8 =	vadd.f32 v11, v8;
	v7 =	vadd.f32 v13, v7;
	v11 =	vld [tilespmem:s21+$0x15EE0]  }
0x106: {  	v4 =	vadd.f32 v4, v6;
	v5 =	vadd.f32 v5, v9;
	v12 =	vld [tilespmem:s21+$0x15EF0];
	s21 =	sshra.s32 s22, $0x2  }
0x107: {  	v6 =	vadd.f32 v14, v8;
	v13 =	vld [tilespmem:s21+$0x15EC0];
	v7 =	vadd.f32 v15, v7  }
0x108: {  	v4 =	vadd.f32 v2, v4;
	v5 =	vadd.f32 v3, v5;
	v14 =	vld [tilespmem:s21+$0x15ED0]  }
0x109: {  	v8 =	vadd.f32 v16, v6;
	v2 =	vld [tilespmem:s21+$0x15E80];
	v7 =	vadd.f32 v10, v7  }
0x10a: {  	v6 =	vadd.f32 v0, v4;
	v9 =	vadd.f32 v1, v5;
	v3 =	vld [tilespmem:s21+$0x15E90]  }
.Ltmp3:
0x10b: {  	v8 =	vadd.f32 v11, v8;
	v4 =	vld [tilespmem:s21+$0x15E40];
	v7 =	vadd.f32 v12, v7;
	(pc) =	sbr.rel @p0 .LBB2_9-.Ltmp3, $4  }
0x10c: {  	v5 =	vld [tilespmem:s21+$0x15E50];
	v0 =	vmov v13  }
0x10d: {  	v10 =	vld [tilespmem:s21+$0x15E00];
	v1 =	vmov v14  }
0x10e: {  	v12 =	vld [tilespmem:s21+$0x15E10]  }
0x10f: {  	s22 =	sadd.s32 $0x400, s22;
	v11 =	vld [tilespmem:s21+$0x15E20]  }
0x110: {  	v13 =	vld [tilespmem:s21+$0x15E30]  }
0x111: {  	v14 =	vld [tilespmem:s21+$0x15E60]  }
0x112: {  	v15 =	vld [tilespmem:s21+$0x15E70];
	v6 =	vadd.f32 v10, v6  }
0x113: {  	v53 =	vld [tilespmem:s21+$0x15EA0];
	v9 =	vadd.f32 v12, v9  }
0x114: {  	v54 =	vld [tilespmem:s21+$0x15EB0];
	v8 =	vadd.f32 v11, v8;
	v4 =	vadd.f32 v4, v6  }
0x115: {  	v56 =	vld [tilespmem:s21+$0x15EE0];
	v55 =	vadd.f32 v13, v7;
	v5 =	vadd.f32 v5, v9  }
0x116: {  	v57 =	vld [tilespmem:s21+$0x15EF0];
	v8 =	vadd.f32 v14, v8;
	v2 =	vadd.f32 v2, v4  }
0x117: {  	v58 =	vadd.f32 v15, v55;
	v3 =	vadd.f32 v3, v5  }
0x118: {  	v59 =	vadd.f32 v53, v8;
	v0 =	vadd.f32 v0, v2  }
0x119: {  	s19 =	sadd.s32 $0x1, s19;
	v60 =	vadd.f32 v54, v58;
	v1 =	vadd.f32 v1, v3  }
0x11a: {  	s20 =	sshll.u32 s20, $0x6;
	p0 =	sne.s32 s19, $0x40;
	v61 =	vadd.f32 v56, v59;
	v0 =	vmul.f32 $4.999999890e-03, v0  }
.Ltmp4:
0x11b: {  	s20 =	sand.u32 $0x3FFFFFC0, s20;
	v2 =	vadd.f32 v57, v60;
	v1 =	vmul.f32 $4.999999890e-03, v1;
	(pc) =	sbr.rel @p0 .LBB2_2-.Ltmp4, $4  }
0x11c: {  	[tilespmem:s20+$0x19000] =	vst v0;
	v62 =	vmul.f32 $4.999999890e-03, v61  }
0x11d: {  	[tilespmem:s20+$0x19010] =	vst v1;
	v63 =	vmul.f32 $4.999999890e-03, v2  }
0x11e: {  	[tilespmem:s20+$0x19020] =	vst v62  }
0x11f: {  	[tilespmem:s20+$0x19030] =	vst v63  }
0x120: {  	s18 =	sadd.s32 $0x1, s18  }
0x121: {  	p0 =	sne.s32 s18, s6  }
.Ltmp5:
0x122: {  	_ = 	snop;
	(pc) =	sbr.rel @p0 .LBB2_1-.Ltmp5, $4  }
0x123: {  	[hbm4b:s5+s2] =	stream.linear.scatter [tilespmem:s17], [sflag:$0x5], $0x4000, $0x38;
	[tilespmem:$0x1D000] =	vst v63  }
0x124: {  	_ =	swait.ge [sflag:s7], $0x4000  }
0x125: {  	[sflag:s7] =	ssyncset.done $0x0  }
0x126: {  	[sflag:s7] =	ssyncadd.s32 $0xFFFFC000  }
0x127: {  	_ =	sfence.sel $0x180000  }
0x128: {  	[bflag:$0x0] =	sbarrier.arrive $0xFFFF  }
0x129: {  	_ =	strace $0x90000047  }
0x12a: {  	s0 =	stileid.u32;
	[bflag:$0x2] =	sbarrier.arrive $0xFFFF  }
0x12b: {  	p0 =	sne.s32 s0, $0x0;
	s0 =	rddreg [dreg:$0x1]  }
0x12c: {  	s0 =	sadd.s32 @!p0 $0x100000, s0  }
0x12d: {  	[sflag:s0] =	ssyncadd.tile.s32 @!p0 $0x1;
	_ =	shalt  }
.Lfunc_end2:
_tile_overlayer_lowered:
.L_overlay_start_2:
0x12e: {  	(tag) =	ssettag $0x2  }
0x12f: {  	s0 =	rddreg [dreg:$0x0];
	s2 =	stileid.u32  }
0x130: {  	s1 =	rddreg [dreg:$0x1];
	p0 =	sne.s32 s2, $0x0  }
0x131: {  	s3 =	rddreg [dreg:$0x2];
	[bflag:$0x3] =	sbarrier.arrive $0xFFFF;
	s2 =	simm.s32 @!p0 $0x1C05  }
0x132: {  	[timem:s3], [sflag:s2] =	dma.local @!p0 [hbm:s0], s1  }
0x133: {  	s0 =	simm.s32 @!p0 $0x5  }
0x134: {  	_ =	swait.ge @!p0 [sflag:s0], s1  }
0x135: {  	s1 =	ssub.s32 @!p0 $0x0, s1;
	[sflag:s0] =	ssyncset.done @!p0 $0x0  }
0x136: {  	[sflag:s0] =	ssyncadd.s32 @!p0 s1  }
0x137: {  	[bflag:$0x3] =	sbarrier.arrive $0xFFFF  }
0x138: {  	_ =	shalt  }

</sc_bundles>
